<compile_context>
chip_gen: v7x
topology: tpu7x:2x2x1
jax: 0.10.2.dev20260603
libtpu: 0.0.44.dev20260713+nightly
codegen_flags: <defaults>
</compile_context>

<pallas_src>
import jax
import jax.numpy as jnp
from jax import lax
from jax.experimental import pallas as pl
from jax.experimental.pallas import tpu as pltpu
from jax.experimental.pallas import tpu_sc as plsc

N = 20000
DETECTION_INPUT_LENGTH = 224.0
L = 16
NS = 16
STRIDE = 1248
WINDOW = 1280
NVEC = WINDOW // L
BLK = 64
NEG_INF = float("-inf")
BIG = 3.0e38


def _sc_body(x_hbm, y_hbm, a_hbm, out_hbm,
             xv, stage, shared, merge, yv8, av8, outv):
    s = lax.axis_index("s")

    lanes = lax.iota(jnp.int32, L)

    base = s * STRIDE
    pltpu.sync_copy(x_hbm.at[pl.ds(base, WINDOW)], xv)

    def step(j, carry):
        m, idx = carry
        v = xv[pl.ds(j * L, L)]
        cur = (base + j * L + lanes).astype(jnp.float32)
        take = v > m
        return jnp.where(take, v, m), jnp.where(take, cur, idx)

    m0 = jnp.full((L,), NEG_INF, jnp.float32)
    i0 = jnp.zeros((L,), jnp.float32)
    m, idx = lax.fori_loop(0, NVEC, step, (m0, i0))

    maxval = m[0]
    for l in range(1, L):
        maxval = jnp.maximum(maxval, m[l])
    idxm = jnp.where(m == jnp.full((L,), maxval, jnp.float32),
                     idx, jnp.full((L,), BIG, jnp.float32))
    bestf = idxm[0]
    for l in range(1, L):
        bestf = jnp.minimum(bestf, idxm[l])
    best = bestf.astype(jnp.int32)

    yb = pl.multiple_of(best & ~7, 8)
    pltpu.sync_copy(y_hbm.at[pl.ds(yb, 8)], yv8)
    pltpu.sync_copy(a_hbm.at[pl.ds(yb, 8)], av8)
    dy = best - yb

    meta = jnp.where(lanes == 0, jnp.full((L,), maxval, jnp.float32),
                     jnp.full((L,), bestf, jnp.float32))
    stage[...] = meta
    blk = BLK * s
    pltpu.sync_copy(stage, shared.at[pl.ds(blk, L)])
    pltpu.sync_copy(yv8.at[dy], shared.at[pl.ds(blk + 16, 12)])
    pltpu.sync_copy(av8.at[dy], shared.at[pl.ds(blk + 32, 2)])
    plsc.subcore_barrier()

    @pl.when(s == 0)
    def _():
        pltpu.sync_copy(shared, merge)
        metas = [merge[pl.ds(BLK * r, L)] for r in range(NS)]
        mvs = [mt[0] for mt in metas]
        bfs = [mt[1] for mt in metas]

        gmax = mvs[0]
        for r in range(1, NS):
            gmax = jnp.maximum(gmax, mvs[r])
        gmaxv = jnp.full((L,), gmax, jnp.float32)
        ones = jnp.full((L,), 1.0, jnp.float32)
        zeros = jnp.full((L,), 0.0, jnp.float32)

        gbestv = jnp.full((L,), BIG, jnp.float32)
        cands = []
        for r in range(NS):
            cand = jnp.where(jnp.full((L,), mvs[r], jnp.float32) == gmaxv,
                             jnp.full((L,), bfs[r], jnp.float32),
                             jnp.full((L,), BIG, jnp.float32))
            cands.append(cand)
            gbestv = jnp.minimum(gbestv, cand)

        ya = zeros
        aa = zeros
        found = zeros
        for r in range(NS):
            g = jnp.where(cands[r] == gbestv, ones, zeros) * (ones - found)
            found = found + g
            ya = ya + g * merge[pl.ds(BLK * r + 16, L)]
            aa = aa + g * merge[pl.ds(BLK * r + 32, L)]

        inv = 1.0 / DETECTION_INPUT_LENGTH
        ax = aa[0]
        ay = aa[1]
        o1 = ya[4] * inv + ax
        o2 = ya[5] * inv + ay
        o3 = ya[6] * inv + ax
        o4 = ya[7] * inv + ay

        sig = 1.0 / (1.0 + jnp.exp(-jnp.full((L,), gmax, jnp.float32)))
        out = sig
        for k, o in ((1, o1), (2, o2), (3, o3), (4, o4)):
            out = jnp.where(lanes == k, jnp.full((L,), o, jnp.float32), out)
        outv[...] = out
        pltpu.sync_copy(outv, out_hbm)


@jax.jit
def kernel(x, y, anchors):
    mesh = plsc.VectorSubcoreMesh(core_axis_name="c", subcore_axis_name="s",
                                  num_cores=1, num_subcores=NS)
    out = pl.kernel(
        _sc_body,
        out_type=jax.ShapeDtypeStruct((L,), jnp.float32),
        mesh=mesh,
        scratch_types=[
            pltpu.VMEM((WINDOW,), jnp.float32),
            pltpu.VMEM((L,), jnp.float32),
            pltpu.VMEM_SHARED((BLK * NS,), jnp.float32),
            pltpu.VMEM((BLK * NS,), jnp.float32),
            pltpu.VMEM((8, 12), jnp.float32),
            pltpu.VMEM((8, 2), jnp.float32),
            pltpu.VMEM((L,), jnp.float32),
        ],
    )(x.reshape(N), y.reshape(N, 12), anchors)
    return out[:5]

# --- scband reference (transcript-rebuilt; emitter-appended) ---
"""Pipeline reference for scband-detection-best-candidate-66554813218839 (READ-ONLY COPY).

The authoritative reference and input builder live on the scoring server;
editing this copy changes nothing except your own understanding.
"""

import jax, jax.numpy as jnp
import numpy as np

N = 20000
DETECTION_INPUT_LENGTH = 224.0
PLUS_ANCHOR_CENTER = np.array([[1, 0, 0, 0, 1, 0, 1, 0, 1, 0, 1, 0],
                               [0, 1, 0, 0, 0, 1, 0, 1, 0, 1, 0, 1]], dtype=np.float32)


def setup_inputs(seed: int = 0) -> dict:
    key = jax.random.key(seed)
    k1, k2, k3 = jax.random.split(key, 3)
    x = jax.random.normal(k1, (1, N), dtype=jnp.float32)
    y = jax.random.normal(k2, (1, N, 12), dtype=jnp.float32)
    # anchors buffer (first 2 cols of generated blazepose anchors, values in [0,1])
    anchors = jax.random.uniform(k3, (N, 2), dtype=jnp.float32)
    return {"x": x, "y": y, "anchors": anchors}


def reference(x, y, anchors):
    plus_anchor_center = jnp.asarray(PLUS_ANCHOR_CENTER)
    best_id = jnp.argmax(x)  # global argmax over flattened scores
    score = x[0, best_id]
    score = jax.nn.sigmoid(score)
    bbox = y[0, best_id]  # [12]
    bbox = bbox / DETECTION_INPUT_LENGTH + (anchors[best_id][None, :] @ plus_anchor_center)[0]
    sqn_rr_center_xy = bbox[4:6]
    sqn_scale_xy = bbox[6:8]
    return jnp.concatenate([score[None], sqn_rr_center_xy, sqn_scale_xy])

if __name__ == "__main__":
    import jax
    _d = setup_inputs()
    print(jax.jit(kernel)(*tuple(_d.values())))

</pallas_src>

<mosaic_0001>
#map = affine_map<(d0, d1) -> (0)>
#map1 = affine_map<(d0, d1) -> (0, 0)>
module attributes {stable_mosaic.version = 14 : i64} {
  func.func @_sc_body(%arg0: i32, %arg1: i32, %arg2: memref<20000xf32, #tpu.memory_space<hbm>>, %arg3: memref<20000x12xf32, #tpu.memory_space<hbm>>, %arg4: memref<20000x2xf32, #tpu.memory_space<hbm>>, %arg5: memref<16xf32, #tpu.memory_space<hbm>>, %arg6: memref<1280xf32, #tpu.memory_space<vmem>>, %arg7: memref<16xf32, #tpu.memory_space<vmem>>, %arg8: memref<1024xf32, #tpu.memory_space<vmem_shared>>, %arg9: memref<1024xf32, #tpu.memory_space<vmem>>, %arg10: memref<8x12xf32, #tpu.memory_space<vmem>>, %arg11: memref<8x2xf32, #tpu.memory_space<vmem>>, %arg12: memref<16xf32, #tpu.memory_space<vmem>>) attributes {dimension_semantics = [#tpu.dimension_semantics<core_parallel>, #tpu.dimension_semantics<subcore_parallel>], iteration_bounds = array<i64: 1, 16>, scalar_prefetch = 0 : i64, scratch_operands = 7 : i64, tpu.core_type = #tpu.core_type<sc_vector_subcore>, window_params = [{transform_indices = #map}, {transform_indices = #map1}, {transform_indices = #map1}, {transform_indices = #map}]} {
    %iota3A = tpu.iota {dimensions = array<i32: 0>} : vector<16xi32>
    %mul3A = arith.constant 1248 : i32
    %mul3A_0 = arith.muli %arg1, %mul3A : i32
    "tpu.region"() ({
      %run_scoped3A = tpu.sem_alloc : memref<!tpu.dma_semaphore, #tpu.memory_space<semaphore_mem>>
      %dma_start3A = tpu.memref_slice %arg2[%mul3A_0] : memref<20000xf32, #tpu.memory_space<hbm>> -> memref<1280xf32, #tpu.memory_space<hbm>>
      %dma_start3A_121 = tpu.memref_slice %arg2[%mul3A_0] : memref<20000xf32, #tpu.memory_space<hbm>> -> memref<1280xf32, #tpu.memory_space<hbm>>
      tpu.enqueue_dma source(%dma_start3A_121 : memref<1280xf32, #tpu.memory_space<hbm>>) target(%arg6 : memref<1280xf32, #tpu.memory_space<vmem>>) target_semaphore(%run_scoped3A : memref<!tpu.dma_semaphore, #tpu.memory_space<semaphore_mem>>)
      %dma_wait3A = tpu.memref_slice %arg2[%mul3A_0] : memref<20000xf32, #tpu.memory_space<hbm>> -> memref<1280xf32, #tpu.memory_space<hbm>>
      %dma_wait3A_122 = tpu.memref_slice %arg2[%mul3A_0] : memref<20000xf32, #tpu.memory_space<hbm>> -> memref<1280xf32, #tpu.memory_space<hbm>>
      tpu.wait_dma2 semaphore(%run_scoped3A : memref<!tpu.dma_semaphore, #tpu.memory_space<semaphore_mem>>) src(%dma_wait3A_122 : memref<1280xf32, #tpu.memory_space<hbm>>) dst(%arg6 : memref<1280xf32, #tpu.memory_space<vmem>>)
      tpu.yield
    }) : () -> ()
    %broadcast_in_dim3A = arith.constant 0xFF800000 : f32
    %broadcast_in_dim3A_1 = vector.broadcast %broadcast_in_dim3A : f32 to vector<16xf32>
    %broadcast_in_dim3A_2 = arith.constant 0.000000e+00 : f32
    %broadcast_in_dim3A_3 = vector.broadcast %broadcast_in_dim3A_2 : f32 to vector<16xf32>
    %scan3A = arith.constant 0 : i32
    %scan3A_4 = arith.constant 80 : i32
    %scan3A_5 = arith.addi %scan3A, %scan3A_4 : i32
    %scan3A_6 = arith.constant 1 : i32
    %scan3A_7:2 = scf.for %scan3A_121 = %scan3A to %scan3A_5 step %scan3A_6 iter_args(%scan3A_122 = %broadcast_in_dim3A_1, %scan3A_123 = %broadcast_in_dim3A_3) -> (vector<16xf32>, vector<16xf32>)  : i32 {
      %mul3A_124 = arith.constant 16 : i32
      %mul3A_125 = arith.muli %scan3A_121, %mul3A_124 : i32
      %get3A = arith.index_cast %mul3A_125 : i32 to index
      %get3A_126 = tpu.vector_load %arg6[%get3A] {strides = array<i32>} : memref<1280xf32, #tpu.memory_space<vmem>>, vector<16xf32>,
      %get3A_127 = vector.shape_cast %get3A_126 : vector<16xf32> to vector<16xf32>
      %mul3A_128 = arith.constant 16 : i32
      %mul3A_129 = arith.muli %scan3A_121, %mul3A_128 : i32
      %add3A_130 = arith.addi %mul3A_0, %mul3A_129 : i32
      %add3A_131 = vector.broadcast %add3A_130 : i32 to vector<16xi32>
      %add3A_132 = arith.addi %add3A_131, %iota3A : vector<16xi32>
      %convert_element_type3A_133 = arith.sitofp %add3A_132 : vector<16xi32> to vector<16xf32>
      %gt3A = arith.cmpf ogt, %get3A_127, %scan3A_122 : vector<16xf32>
      %select_n3A_134 = arith.select %gt3A, %get3A_127, %scan3A_122 : vector<16xi1>, vector<16xf32>
      %select_n3A_135 = arith.select %gt3A, %convert_element_type3A_133, %scan3A_123 : vector<16xi1>, vector<16xf32>
      scf.yield %select_n3A_134, %select_n3A_135 : vector<16xf32>, vector<16xf32>
    }
    %scan3A_8 = arith.constant 80 : i32
    %slice3A = vector.extract_strided_slice %scan3A_7#0 {offsets = [0], sizes = [1], strides = [1]} : vector<16xf32> to vector<1xf32>
    %squeeze3A = vector.extract %slice3A[0] : f32 from vector<1xf32>
    %slice3A_9 = vector.extract_strided_slice %scan3A_7#0 {offsets = [1], sizes = [1], strides = [1]} : vector<16xf32> to vector<1xf32>
    %squeeze3A_10 = vector.extract %slice3A_9[0] : f32 from vector<1xf32>
    %max3A = arith.maximumf %squeeze3A, %squeeze3A_10 : f32
    %slice3A_11 = vector.extract_strided_slice %scan3A_7#0 {offsets = [2], sizes = [1], strides = [1]} : vector<16xf32> to vector<1xf32>
    %squeeze3A_12 = vector.extract %slice3A_11[0] : f32 from vector<1xf32>
    %max3A_13 = arith.maximumf %max3A, %squeeze3A_12 : f32
    %slice3A_14 = vector.extract_strided_slice %scan3A_7#0 {offsets = [3], sizes = [1], strides = [1]} : vector<16xf32> to vector<1xf32>
    %squeeze3A_15 = vector.extract %slice3A_14[0] : f32 from vector<1xf32>
    %max3A_16 = arith.maximumf %max3A_13, %squeeze3A_15 : f32
    %slice3A_17 = vector.extract_strided_slice %scan3A_7#0 {offsets = [4], sizes = [1], strides = [1]} : vector<16xf32> to vector<1xf32>
    %squeeze3A_18 = vector.extract %slice3A_17[0] : f32 from vector<1xf32>
    %max3A_19 = arith.maximumf %max3A_16, %squeeze3A_18 : f32
    %slice3A_20 = vector.extract_strided_slice %scan3A_7#0 {offsets = [5], sizes = [1], strides = [1]} : vector<16xf32> to vector<1xf32>
    %squeeze3A_21 = vector.extract %slice3A_20[0] : f32 from vector<1xf32>
    %max3A_22 = arith.maximumf %max3A_19, %squeeze3A_21 : f32
    %slice3A_23 = vector.extract_strided_slice %scan3A_7#0 {offsets = [6], sizes = [1], strides = [1]} : vector<16xf32> to vector<1xf32>
    %squeeze3A_24 = vector.extract %slice3A_23[0] : f32 from vector<1xf32>
    %max3A_25 = arith.maximumf %max3A_22, %squeeze3A_24 : f32
    %slice3A_26 = vector.extract_strided_slice %scan3A_7#0 {offsets = [7], sizes = [1], strides = [1]} : vector<16xf32> to vector<1xf32>
    %squeeze3A_27 = vector.extract %slice3A_26[0] : f32 from vector<1xf32>
    %max3A_28 = arith.maximumf %max3A_25, %squeeze3A_27 : f32
    %slice3A_29 = vector.extract_strided_slice %scan3A_7#0 {offsets = [8], sizes = [1], strides = [1]} : vector<16xf32> to vector<1xf32>
    %squeeze3A_30 = vector.extract %slice3A_29[0] : f32 from vector<1xf32>
    %max3A_31 = arith.maximumf %max3A_28, %squeeze3A_30 : f32
    %slice3A_32 = vector.extract_strided_slice %scan3A_7#0 {offsets = [9], sizes = [1], strides = [1]} : vector<16xf32> to vector<1xf32>
    %squeeze3A_33 = vector.extract %slice3A_32[0] : f32 from vector<1xf32>
    %max3A_34 = arith.maximumf %max3A_31, %squeeze3A_33 : f32
    %slice3A_35 = vector.extract_strided_slice %scan3A_7#0 {offsets = [10], sizes = [1], strides = [1]} : vector<16xf32> to vector<1xf32>
    %squeeze3A_36 = vector.extract %slice3A_35[0] : f32 from vector<1xf32>
    %max3A_37 = arith.maximumf %max3A_34, %squeeze3A_36 : f32
    %slice3A_38 = vector.extract_strided_slice %scan3A_7#0 {offsets = [11], sizes = [1], strides = [1]} : vector<16xf32> to vector<1xf32>
    %squeeze3A_39 = vector.extract %slice3A_38[0] : f32 from vector<1xf32>
    %max3A_40 = arith.maximumf %max3A_37, %squeeze3A_39 : f32
    %slice3A_41 = vector.extract_strided_slice %scan3A_7#0 {offsets = [12], sizes = [1], strides = [1]} : vector<16xf32> to vector<1xf32>
    %squeeze3A_42 = vector.extract %slice3A_41[0] : f32 from vector<1xf32>
    %max3A_43 = arith.maximumf %max3A_40, %squeeze3A_42 : f32
    %slice3A_44 = vector.extract_strided_slice %scan3A_7#0 {offsets = [13], sizes = [1], strides = [1]} : vector<16xf32> to vector<1xf32>
    %squeeze3A_45 = vector.extract %slice3A_44[0] : f32 from vector<1xf32>
    %max3A_46 = arith.maximumf %max3A_43, %squeeze3A_45 : f32
    %slice3A_47 = vector.extract_strided_slice %scan3A_7#0 {offsets = [14], sizes = [1], strides = [1]} : vector<16xf32> to vector<1xf32>
    %squeeze3A_48 = vector.extract %slice3A_47[0] : f32 from vector<1xf32>
    %max3A_49 = arith.maximumf %max3A_46, %squeeze3A_48 : f32
    %slice3A_50 = vector.extract_strided_slice %scan3A_7#0 {offsets = [15], sizes = [1], strides = [1]} : vector<16xf32> to vector<1xf32>
    %squeeze3A_51 = vector.extract %slice3A_50[0] : f32 from vector<1xf32>
    %max3A_52 = arith.maximumf %max3A_49, %squeeze3A_51 : f32
    %broadcast_in_dim3A_53 = vector.broadcast %max3A_52 : f32 to vector<16xf32>
    %eq3A = arith.cmpf oeq, %scan3A_7#0, %broadcast_in_dim3A_53 : vector<16xf32>
    %broadcast_in_dim3A_54 = arith.constant 3.000000e+38 : f32
    %broadcast_in_dim3A_55 = vector.broadcast %broadcast_in_dim3A_54 : f32 to vector<16xf32>
    %select_n3A = arith.select %eq3A, %scan3A_7#1, %broadcast_in_dim3A_55 : vector<16xi1>, vector<16xf32>
    %slice3A_56 = vector.extract_strided_slice %select_n3A {offsets = [0], sizes = [1], strides = [1]} : vector<16xf32> to vector<1xf32>
    %squeeze3A_57 = vector.extract %slice3A_56[0] : f32 from vector<1xf32>
    %slice3A_58 = vector.extract_strided_slice %select_n3A {offsets = [1], sizes = [1], strides = [1]} : vector<16xf32> to vector<1xf32>
    %squeeze3A_59 = vector.extract %slice3A_58[0] : f32 from vector<1xf32>
    %min3A = arith.minimumf %squeeze3A_57, %squeeze3A_59 : f32
    %slice3A_60 = vector.extract_strided_slice %select_n3A {offsets = [2], sizes = [1], strides = [1]} : vector<16xf32> to vector<1xf32>
    %squeeze3A_61 = vector.extract %slice3A_60[0] : f32 from vector<1xf32>
    %min3A_62 = arith.minimumf %min3A, %squeeze3A_61 : f32
    %slice3A_63 = vector.extract_strided_slice %select_n3A {offsets = [3], sizes = [1], strides = [1]} : vector<16xf32> to vector<1xf32>
    %squeeze3A_64 = vector.extract %slice3A_63[0] : f32 from vector<1xf32>
    %min3A_65 = arith.minimumf %min3A_62, %squeeze3A_64 : f32
    %slice3A_66 = vector.extract_strided_slice %select_n3A {offsets = [4], sizes = [1], strides = [1]} : vector<16xf32> to vector<1xf32>
    %squeeze3A_67 = vector.extract %slice3A_66[0] : f32 from vector<1xf32>
    %min3A_68 = arith.minimumf %min3A_65, %squeeze3A_67 : f32
    %slice3A_69 = vector.extract_strided_slice %select_n3A {offsets = [5], sizes = [1], strides = [1]} : vector<16xf32> to vector<1xf32>
    %squeeze3A_70 = vector.extract %slice3A_69[0] : f32 from vector<1xf32>
    %min3A_71 = arith.minimumf %min3A_68, %squeeze3A_70 : f32
    %slice3A_72 = vector.extract_strided_slice %select_n3A {offsets = [6], sizes = [1], strides = [1]} : vector<16xf32> to vector<1xf32>
    %squeeze3A_73 = vector.extract %slice3A_72[0] : f32 from vector<1xf32>
    %min3A_74 = arith.minimumf %min3A_71, %squeeze3A_73 : f32
    %slice3A_75 = vector.extract_strided_slice %select_n3A {offsets = [7], sizes = [1], strides = [1]} : vector<16xf32> to vector<1xf32>
    %squeeze3A_76 = vector.extract %slice3A_75[0] : f32 from vector<1xf32>
    %min3A_77 = arith.minimumf %min3A_74, %squeeze3A_76 : f32
    %slice3A_78 = vector.extract_strided_slice %select_n3A {offsets = [8], sizes = [1], strides = [1]} : vector<16xf32> to vector<1xf32>
    %squeeze3A_79 = vector.extract %slice3A_78[0] : f32 from vector<1xf32>
    %min3A_80 = arith.minimumf %min3A_77, %squeeze3A_79 : f32
    %slice3A_81 = vector.extract_strided_slice %select_n3A {offsets = [9], sizes = [1], strides = [1]} : vector<16xf32> to vector<1xf32>
    %squeeze3A_82 = vector.extract %slice3A_81[0] : f32 from vector<1xf32>
    %min3A_83 = arith.minimumf %min3A_80, %squeeze3A_82 : f32
    %slice3A_84 = vector.extract_strided_slice %select_n3A {offsets = [10], sizes = [1], strides = [1]} : vector<16xf32> to vector<1xf32>
    %squeeze3A_85 = vector.extract %slice3A_84[0] : f32 from vector<1xf32>
    %min3A_86 = arith.minimumf %min3A_83, %squeeze3A_85 : f32
    %slice3A_87 = vector.extract_strided_slice %select_n3A {offsets = [11], sizes = [1], strides = [1]} : vector<16xf32> to vector<1xf32>
    %squeeze3A_88 = vector.extract %slice3A_87[0] : f32 from vector<1xf32>
    %min3A_89 = arith.minimumf %min3A_86, %squeeze3A_88 : f32
    %slice3A_90 = vector.extract_strided_slice %select_n3A {offsets = [12], sizes = [1], strides = [1]} : vector<16xf32> to vector<1xf32>
    %squeeze3A_91 = vector.extract %slice3A_90[0] : f32 from vector<1xf32>
    %min3A_92 = arith.minimumf %min3A_89, %squeeze3A_91 : f32
    %slice3A_93 = vector.extract_strided_slice %select_n3A {offsets = [13], sizes = [1], strides = [1]} : vector<16xf32> to vector<1xf32>
    %squeeze3A_94 = vector.extract %slice3A_93[0] : f32 from vector<1xf32>
    %min3A_95 = arith.minimumf %min3A_92, %squeeze3A_94 : f32
    %slice3A_96 = vector.extract_strided_slice %select_n3A {offsets = [14], sizes = [1], strides = [1]} : vector<16xf32> to vector<1xf32>
    %squeeze3A_97 = vector.extract %slice3A_96[0] : f32 from vector<1xf32>
    %min3A_98 = arith.minimumf %min3A_95, %squeeze3A_97 : f32
    %slice3A_99 = vector.extract_strided_slice %select_n3A {offsets = [15], sizes = [1], strides = [1]} : vector<16xf32> to vector<1xf32>
    %squeeze3A_100 = vector.extract %slice3A_99[0] : f32 from vector<1xf32>
    %min3A_101 = arith.minimumf %min3A_98, %squeeze3A_100 : f32
    %convert_element_type3A = arith.fptosi %min3A_101 : f32 to i32
    %and3A = arith.constant -8 : i32
    %and3A_102 = arith.andi %convert_element_type3A, %and3A : i32
    %multiple_of3A = tpu.assume_multiple %and3A_102, 8 : i32
    "tpu.region"() ({
      %run_scoped3A = tpu.sem_alloc : memref<!tpu.dma_semaphore, #tpu.memory_space<semaphore_mem>>
      %dma_start3A = arith.constant 0 : i32
      %dma_start3A_121 = tpu.memref_slice %arg3[%multiple_of3A, %dma_start3A] : memref<20000x12xf32, #tpu.memory_space<hbm>> -> memref<8x12xf32, #tpu.memory_space<hbm>>
      %dma_start3A_122 = arith.constant 0 : i32
      %dma_start3A_123 = tpu.memref_slice %arg3[%multiple_of3A, %dma_start3A_122] : memref<20000x12xf32, #tpu.memory_space<hbm>> -> memref<8x12xf32, #tpu.memory_space<hbm>>
      tpu.enqueue_dma source(%dma_start3A_123 : memref<8x12xf32, #tpu.memory_space<hbm>>) target(%arg10 : memref<8x12xf32, #tpu.memory_space<vmem>>) target_semaphore(%run_scoped3A : memref<!tpu.dma_semaphore, #tpu.memory_space<semaphore_mem>>)
      %dma_wait3A = arith.constant 0 : i32
      %dma_wait3A_124 = tpu.memref_slice %arg3[%multiple_of3A, %dma_wait3A] : memref<20000x12xf32, #tpu.memory_space<hbm>> -> memref<8x12xf32, #tpu.memory_space<hbm>>
      %dma_wait3A_125 = arith.constant 0 : i32
      %dma_wait3A_126 = tpu.memref_slice %arg3[%multiple_of3A, %dma_wait3A_125] : memref<20000x12xf32, #tpu.memory_space<hbm>> -> memref<8x12xf32, #tpu.memory_space<hbm>>
      tpu.wait_dma2 semaphore(%run_scoped3A : memref<!tpu.dma_semaphore, #tpu.memory_space<semaphore_mem>>) src(%dma_wait3A_126 : memref<8x12xf32, #tpu.memory_space<hbm>>) dst(%arg10 : memref<8x12xf32, #tpu.memory_space<vmem>>)
      tpu.yield
    }) : () -> ()
    "tpu.region"() ({
      %run_scoped3A = tpu.sem_alloc : memref<!tpu.dma_semaphore, #tpu.memory_space<semaphore_mem>>
      %dma_start3A = arith.constant 0 : i32
      %dma_start3A_121 = tpu.memref_slice %arg4[%multiple_of3A, %dma_start3A] : memref<20000x2xf32, #tpu.memory_space<hbm>> -> memref<8x2xf32, #tpu.memory_space<hbm>>
      %dma_start3A_122 = arith.constant 0 : i32
      %dma_start3A_123 = tpu.memref_slice %arg4[%multiple_of3A, %dma_start3A_122] : memref<20000x2xf32, #tpu.memory_space<hbm>> -> memref<8x2xf32, #tpu.memory_space<hbm>>
      tpu.enqueue_dma source(%dma_start3A_123 : memref<8x2xf32, #tpu.memory_space<hbm>>) target(%arg11 : memref<8x2xf32, #tpu.memory_space<vmem>>) target_semaphore(%run_scoped3A : memref<!tpu.dma_semaphore, #tpu.memory_space<semaphore_mem>>)
      %dma_wait3A = arith.constant 0 : i32
      %dma_wait3A_124 = tpu.memref_slice %arg4[%multiple_of3A, %dma_wait3A] : memref<20000x2xf32, #tpu.memory_space<hbm>> -> memref<8x2xf32, #tpu.memory_space<hbm>>
      %dma_wait3A_125 = arith.constant 0 : i32
      %dma_wait3A_126 = tpu.memref_slice %arg4[%multiple_of3A, %dma_wait3A_125] : memref<20000x2xf32, #tpu.memory_space<hbm>> -> memref<8x2xf32, #tpu.memory_space<hbm>>
      tpu.wait_dma2 semaphore(%run_scoped3A : memref<!tpu.dma_semaphore, #tpu.memory_space<semaphore_mem>>) src(%dma_wait3A_126 : memref<8x2xf32, #tpu.memory_space<hbm>>) dst(%arg11 : memref<8x2xf32, #tpu.memory_space<vmem>>)
      tpu.yield
    }) : () -> ()
    %sub3A = arith.subi %convert_element_type3A, %multiple_of3A : i32
    %eq3A_103 = arith.constant 0 : i32
    %eq3A_104 = vector.broadcast %eq3A_103 : i32 to vector<16xi32>
    %eq3A_105 = arith.cmpi eq, %iota3A, %eq3A_104 : vector<16xi32>
    %broadcast_in_dim3A_106 = vector.broadcast %max3A_52 : f32 to vector<16xf32>
    %broadcast_in_dim3A_107 = vector.broadcast %min3A_101 : f32 to vector<16xf32>
    %select_n3A_108 = arith.select %eq3A_105, %broadcast_in_dim3A_106, %broadcast_in_dim3A_107 : vector<16xi1>, vector<16xf32>
    %swap3A = arith.constant 0 : index
    %swap3A_109 = tpu.vector_load %arg7[%swap3A] {strides = array<i32>} : memref<16xf32, #tpu.memory_space<vmem>>, vector<16xf32>,
    %swap3A_110 = vector.shape_cast %swap3A_109 : vector<16xf32> to vector<16xf32>
    %swap3A_111 = vector.shape_cast %select_n3A_108 : vector<16xf32> to vector<16xf32>
    tpu.vector_store %arg7[%swap3A], %swap3A_111 {strides = array<i32>} : memref<16xf32, #tpu.memory_space<vmem>>, vector<16xf32>,
    %mul3A_112 = arith.constant 64 : i32
    %mul3A_113 = arith.muli %mul3A_112, %arg1 : i32
    "tpu.region"() ({
      %run_scoped3A = tpu.sem_alloc : memref<!tpu.dma_semaphore, #tpu.memory_space<semaphore_mem>>
      %dma_start3A = tpu.memref_slice %arg8[%mul3A_113] : memref<1024xf32, #tpu.memory_space<vmem_shared>> -> memref<16xf32, #tpu.memory_space<vmem_shared>>
      %dma_start3A_121 = tpu.memref_slice %arg8[%mul3A_113] : memref<1024xf32, #tpu.memory_space<vmem_shared>> -> memref<16xf32, #tpu.memory_space<vmem_shared>>
      tpu.enqueue_dma source(%arg7 : memref<16xf32, #tpu.memory_space<vmem>>) target(%dma_start3A_121 : memref<16xf32, #tpu.memory_space<vmem_shared>>) target_semaphore(%run_scoped3A : memref<!tpu.dma_semaphore, #tpu.memory_space<semaphore_mem>>)
      %dma_wait3A = tpu.memref_slice %arg8[%mul3A_113] : memref<1024xf32, #tpu.memory_space<vmem_shared>> -> memref<16xf32, #tpu.memory_space<vmem_shared>>
      %dma_wait3A_122 = tpu.memref_slice %arg8[%mul3A_113] : memref<1024xf32, #tpu.memory_space<vmem_shared>> -> memref<16xf32, #tpu.memory_space<vmem_shared>>
      tpu.wait_dma2 semaphore(%run_scoped3A : memref<!tpu.dma_semaphore, #tpu.memory_space<semaphore_mem>>) src(%arg7 : memref<16xf32, #tpu.memory_space<vmem>>) dst(%dma_wait3A_122 : memref<16xf32, #tpu.memory_space<vmem_shared>>)
      tpu.yield
    }) : () -> ()
    %add3A = arith.constant 16 : i32
    %add3A_114 = arith.addi %mul3A_113, %add3A : i32
    "tpu.region"() ({
      %run_scoped3A = tpu.sem_alloc : memref<!tpu.dma_semaphore, #tpu.memory_space<semaphore_mem>>
      %dma_start3A = arith.constant 0 : i32
      %dma_start3A_121 = tpu.memref_slice %arg10[%sub3A, %dma_start3A] : memref<8x12xf32, #tpu.memory_space<vmem>> -> memref<1x12xf32, #tpu.memory_space<vmem>>
      %dma_start3A_122 = tpu.memref_squeeze %dma_start3A_121 : memref<1x12xf32, #tpu.memory_space<vmem>> -> memref<12xf32, #tpu.memory_space<vmem>>
      %dma_start3A_123 = tpu.memref_slice %arg8[%add3A_114] : memref<1024xf32, #tpu.memory_space<vmem_shared>> -> memref<12xf32, #tpu.memory_space<vmem_shared>>
      %dma_start3A_124 = tpu.memref_slice %arg8[%add3A_114] : memref<1024xf32, #tpu.memory_space<vmem_shared>> -> memref<12xf32, #tpu.memory_space<vmem_shared>>
      %dma_start3A_125 = arith.constant 0 : i32
      %dma_start3A_126 = tpu.memref_slice %arg10[%sub3A, %dma_start3A_125] : memref<8x12xf32, #tpu.memory_space<vmem>> -> memref<1x12xf32, #tpu.memory_space<vmem>>
      %dma_start3A_127 = tpu.memref_squeeze %dma_start3A_126 : memref<1x12xf32, #tpu.memory_space<vmem>> -> memref<12xf32, #tpu.memory_space<vmem>>
      tpu.enqueue_dma source(%dma_start3A_127 : memref<12xf32, #tpu.memory_space<vmem>>) target(%dma_start3A_124 : memref<12xf32, #tpu.memory_space<vmem_shared>>) target_semaphore(%run_scoped3A : memref<!tpu.dma_semaphore, #tpu.memory_space<semaphore_mem>>)
      %dma_wait3A = arith.constant 0 : i32
      %dma_wait3A_128 = tpu.memref_slice %arg10[%sub3A, %dma_wait3A] : memref<8x12xf32, #tpu.memory_space<vmem>> -> memref<1x12xf32, #tpu.memory_space<vmem>>
      %dma_wait3A_129 = tpu.memref_squeeze %dma_wait3A_128 : memref<1x12xf32, #tpu.memory_space<vmem>> -> memref<12xf32, #tpu.memory_space<vmem>>
      %dma_wait3A_130 = tpu.memref_slice %arg8[%add3A_114] : memref<1024xf32, #tpu.memory_space<vmem_shared>> -> memref<12xf32, #tpu.memory_space<vmem_shared>>
      %dma_wait3A_131 = tpu.memref_slice %arg8[%add3A_114] : memref<1024xf32, #tpu.memory_space<vmem_shared>> -> memref<12xf32, #tpu.memory_space<vmem_shared>>
      %dma_wait3A_132 = arith.constant 0 : i32
      %dma_wait3A_133 = tpu.memref_slice %arg10[%sub3A, %dma_wait3A_132] : memref<8x12xf32, #tpu.memory_space<vmem>> -> memref<1x12xf32, #tpu.memory_space<vmem>>
      %dma_wait3A_134 = tpu.memref_squeeze %dma_wait3A_133 : memref<1x12xf32, #tpu.memory_space<vmem>> -> memref<12xf32, #tpu.memory_space<vmem>>
      tpu.wait_dma2 semaphore(%run_scoped3A : memref<!tpu.dma_semaphore, #tpu.memory_space<semaphore_mem>>) src(%dma_wait3A_134 : memref<12xf32, #tpu.memory_space<vmem>>) dst(%dma_wait3A_131 : memref<12xf32, #tpu.memory_space<vmem_shared>>)
      tpu.yield
    }) : () -> ()
    %add3A_115 = arith.constant 32 : i32
    %add3A_116 = arith.addi %mul3A_113, %add3A_115 : i32
    "tpu.region"() ({
      %run_scoped3A = tpu.sem_alloc : memref<!tpu.dma_semaphore, #tpu.memory_space<semaphore_mem>>
      %dma_start3A = arith.constant 0 : i32
      %dma_start3A_121 = tpu.memref_slice %arg11[%sub3A, %dma_start3A] : memref<8x2xf32, #tpu.memory_space<vmem>> -> memref<1x2xf32, #tpu.memory_space<vmem>>
      %dma_start3A_122 = tpu.memref_squeeze %dma_start3A_121 : memref<1x2xf32, #tpu.memory_space<vmem>> -> memref<2xf32, #tpu.memory_space<vmem>>
      %dma_start3A_123 = tpu.memref_slice %arg8[%add3A_116] : memref<1024xf32, #tpu.memory_space<vmem_shared>> -> memref<2xf32, #tpu.memory_space<vmem_shared>>
      %dma_start3A_124 = tpu.memref_slice %arg8[%add3A_116] : memref<1024xf32, #tpu.memory_space<vmem_shared>> -> memref<2xf32, #tpu.memory_space<vmem_shared>>
      %dma_start3A_125 = arith.constant 0 : i32
      %dma_start3A_126 = tpu.memref_slice %arg11[%sub3A, %dma_start3A_125] : memref<8x2xf32, #tpu.memory_space<vmem>> -> memref<1x2xf32, #tpu.memory_space<vmem>>
      %dma_start3A_127 = tpu.memref_squeeze %dma_start3A_126 : memref<1x2xf32, #tpu.memory_space<vmem>> -> memref<2xf32, #tpu.memory_space<vmem>>
      tpu.enqueue_dma source(%dma_start3A_127 : memref<2xf32, #tpu.memory_space<vmem>>) target(%dma_start3A_124 : memref<2xf32, #tpu.memory_space<vmem_shared>>) target_semaphore(%run_scoped3A : memref<!tpu.dma_semaphore, #tpu.memory_space<semaphore_mem>>)
      %dma_wait3A = arith.constant 0 : i32
      %dma_wait3A_128 = tpu.memref_slice %arg11[%sub3A, %dma_wait3A] : memref<8x2xf32, #tpu.memory_space<vmem>> -> memref<1x2xf32, #tpu.memory_space<vmem>>
      %dma_wait3A_129 = tpu.memref_squeeze %dma_wait3A_128 : memref<1x2xf32, #tpu.memory_space<vmem>> -> memref<2xf32, #tpu.memory_space<vmem>>
      %dma_wait3A_130 = tpu.memref_slice %arg8[%add3A_116] : memref<1024xf32, #tpu.memory_space<vmem_shared>> -> memref<2xf32, #tpu.memory_space<vmem_shared>>
      %dma_wait3A_131 = tpu.memref_slice %arg8[%add3A_116] : memref<1024xf32, #tpu.memory_space<vmem_shared>> -> memref<2xf32, #tpu.memory_space<vmem_shared>>
      %dma_wait3A_132 = arith.constant 0 : i32
      %dma_wait3A_133 = tpu.memref_slice %arg11[%sub3A, %dma_wait3A_132] : memref<8x2xf32, #tpu.memory_space<vmem>> -> memref<1x2xf32, #tpu.memory_space<vmem>>
      %dma_wait3A_134 = tpu.memref_squeeze %dma_wait3A_133 : memref<1x2xf32, #tpu.memory_space<vmem>> -> memref<2xf32, #tpu.memory_space<vmem>>
      tpu.wait_dma2 semaphore(%run_scoped3A : memref<!tpu.dma_semaphore, #tpu.memory_space<semaphore_mem>>) src(%dma_wait3A_134 : memref<2xf32, #tpu.memory_space<vmem>>) dst(%dma_wait3A_131 : memref<2xf32, #tpu.memory_space<vmem_shared>>)
      tpu.yield
    }) : () -> ()
    %barrier3A = arith.constant 0 : index
    tpu.barrier barrier_id(%barrier3A)
    %eq3A_117 = arith.constant 0 : i32
    %eq3A_118 = arith.cmpi eq, %arg1, %eq3A_117 : i32
    %convert_element_type3A_119 = arith.extui %eq3A_118 : i1 to i32
    %cond3A = arith.constant 0 : i32
    %cond3A_120 = arith.cmpi ne, %convert_element_type3A_119, %cond3A : i32
    scf.if %cond3A_120 {
      "tpu.region"() ({
        %run_scoped3A = tpu.sem_alloc : memref<!tpu.dma_semaphore, #tpu.memory_space<semaphore_mem>>
        tpu.enqueue_dma source(%arg8 : memref<1024xf32, #tpu.memory_space<vmem_shared>>) target(%arg9 : memref<1024xf32, #tpu.memory_space<vmem>>) target_semaphore(%run_scoped3A : memref<!tpu.dma_semaphore, #tpu.memory_space<semaphore_mem>>)
        tpu.wait_dma2 semaphore(%run_scoped3A : memref<!tpu.dma_semaphore, #tpu.memory_space<semaphore_mem>>) src(%arg8 : memref<1024xf32, #tpu.memory_space<vmem_shared>>) dst(%arg9 : memref<1024xf32, #tpu.memory_space<vmem>>)
        tpu.yield
      }) : () -> ()
      %get3A = arith.constant 0 : index
      %get3A_121 = tpu.vector_load %arg9[%get3A] {strides = array<i32>} : memref<1024xf32, #tpu.memory_space<vmem>>, vector<16xf32>,
      %get3A_122 = vector.shape_cast %get3A_121 : vector<16xf32> to vector<16xf32>
      %get3A_123 = arith.constant 64 : index
      %get3A_124 = tpu.vector_load %arg9[%get3A_123] {strides = array<i32>} : memref<1024xf32, #tpu.memory_space<vmem>>, vector<16xf32>,
      %get3A_125 = vector.shape_cast %get3A_124 : vector<16xf32> to vector<16xf32>
      %get3A_126 = arith.constant 128 : index
      %get3A_127 = tpu.vector_load %arg9[%get3A_126] {strides = array<i32>} : memref<1024xf32, #tpu.memory_space<vmem>>, vector<16xf32>,
      %get3A_128 = vector.shape_cast %get3A_127 : vector<16xf32> to vector<16xf32>
      %get3A_129 = arith.constant 192 : index
      %get3A_130 = tpu.vector_load %arg9[%get3A_129] {strides = array<i32>} : memref<1024xf32, #tpu.memory_space<vmem>>, vector<16xf32>,
      %get3A_131 = vector.shape_cast %get3A_130 : vector<16xf32> to vector<16xf32>
      %get3A_132 = arith.constant 256 : index
      %get3A_133 = tpu.vector_load %arg9[%get3A_132] {strides = array<i32>} : memref<1024xf32, #tpu.memory_space<vmem>>, vector<16xf32>,
      %get3A_134 = vector.shape_cast %get3A_133 : vector<16xf32> to vector<16xf32>
      %get3A_135 = arith.constant 320 : index
      %get3A_136 = tpu.vector_load %arg9[%get3A_135] {strides = array<i32>} : memref<1024xf32, #tpu.memory_space<vmem>>, vector<16xf32>,
      %get3A_137 = vector.shape_cast %get3A_136 : vector<16xf32> to vector<16xf32>
      %get3A_138 = arith.constant 384 : index
      %get3A_139 = tpu.vector_load %arg9[%get3A_138] {strides = array<i32>} : memref<1024xf32, #tpu.memory_space<vmem>>, vector<16xf32>,
      %get3A_140 = vector.shape_cast %get3A_139 : vector<16xf32> to vector<16xf32>
      %get3A_141 = arith.constant 448 : index
      %get3A_142 = tpu.vector_load %arg9[%get3A_141] {strides = array<i32>} : memref<1024xf32, #tpu.memory_space<vmem>>, vector<16xf32>,
      %get3A_143 = vector.shape_cast %get3A_142 : vector<16xf32> to vector<16xf32>
      %get3A_144 = arith.constant 512 : index
      %get3A_145 = tpu.vector_load %arg9[%get3A_144] {strides = array<i32>} : memref<1024xf32, #tpu.memory_space<vmem>>, vector<16xf32>,
      %get3A_146 = vector.shape_cast %get3A_145 : vector<16xf32> to vector<16xf32>
      %get3A_147 = arith.constant 576 : index
      %get3A_148 = tpu.vector_load %arg9[%get3A_147] {strides = array<i32>} : memref<1024xf32, #tpu.memory_space<vmem>>, vector<16xf32>,
      %get3A_149 = vector.shape_cast %get3A_148 : vector<16xf32> to vector<16xf32>
      %get3A_150 = arith.constant 640 : index
      %get3A_151 = tpu.vector_load %arg9[%get3A_150] {strides = array<i32>} : memref<1024xf32, #tpu.memory_space<vmem>>, vector<16xf32>,
      %get3A_152 = vector.shape_cast %get3A_151 : vector<16xf32> to vector<16xf32>
      %get3A_153 = arith.constant 704 : index
      %get3A_154 = tpu.vector_load %arg9[%get3A_153] {strides = array<i32>} : memref<1024xf32, #tpu.memory_space<vmem>>, vector<16xf32>,
      %get3A_155 = vector.shape_cast %get3A_154 : vector<16xf32> to vector<16xf32>
      %get3A_156 = arith.constant 768 : index
      %get3A_157 = tpu.vector_load %arg9[%get3A_156] {strides = array<i32>} : memref<1024xf32, #tpu.memory_space<vmem>>, vector<16xf32>,
      %get3A_158 = vector.shape_cast %get3A_157 : vector<16xf32> to vector<16xf32>
      %get3A_159 = arith.constant 832 : index
      %get3A_160 = tpu.vector_load %arg9[%get3A_159] {strides = array<i32>} : memref<1024xf32, #tpu.memory_space<vmem>>, vector<16xf32>,
      %get3A_161 = vector.shape_cast %get3A_160 : vector<16xf32> to vector<16xf32>
      %get3A_162 = arith.constant 896 : index
      %get3A_163 = tpu.vector_load %arg9[%get3A_162] {strides = array<i32>} : memref<1024xf32, #tpu.memory_space<vmem>>, vector<16xf32>,
      %get3A_164 = vector.shape_cast %get3A_163 : vector<16xf32> to vector<16xf32>
      %get3A_165 = arith.constant 960 : index
      %get3A_166 = tpu.vector_load %arg9[%get3A_165] {strides = array<i32>} : memref<1024xf32, #tpu.memory_space<vmem>>, vector<16xf32>,
      %get3A_167 = vector.shape_cast %get3A_166 : vector<16xf32> to vector<16xf32>
      %slice3A_168 = vector.extract_strided_slice %get3A_122 {offsets = [0], sizes = [1], strides = [1]} : vector<16xf32> to vector<1xf32>
      %squeeze3A_169 = vector.extract %slice3A_168[0] : f32 from vector<1xf32>
      %slice3A_170 = vector.extract_strided_slice %get3A_125 {offsets = [0], sizes = [1], strides = [1]} : vector<16xf32> to vector<1xf32>
      %squeeze3A_171 = vector.extract %slice3A_170[0] : f32 from vector<1xf32>
      %slice3A_172 = vector.extract_strided_slice %get3A_128 {offsets = [0], sizes = [1], strides = [1]} : vector<16xf32> to vector<1xf32>
      %squeeze3A_173 = vector.extract %slice3A_172[0] : f32 from vector<1xf32>
      %slice3A_174 = vector.extract_strided_slice %get3A_131 {offsets = [0], sizes = [1], strides = [1]} : vector<16xf32> to vector<1xf32>
      %squeeze3A_175 = vector.extract %slice3A_174[0] : f32 from vector<1xf32>
      %slice3A_176 = vector.extract_strided_slice %get3A_134 {offsets = [0], sizes = [1], strides = [1]} : vector<16xf32> to vector<1xf32>
      %squeeze3A_177 = vector.extract %slice3A_176[0] : f32 from vector<1xf32>
      %slice3A_178 = vector.extract_strided_slice %get3A_137 {offsets = [0], sizes = [1], strides = [1]} : vector<16xf32> to vector<1xf32>
      %squeeze3A_179 = vector.extract %slice3A_178[0] : f32 from vector<1xf32>
      %slice3A_180 = vector.extract_strided_slice %get3A_140 {offsets = [0], sizes = [1], strides = [1]} : vector<16xf32> to vector<1xf32>
      %squeeze3A_181 = vector.extract %slice3A_180[0] : f32 from vector<1xf32>
      %slice3A_182 = vector.extract_strided_slice %get3A_143 {offsets = [0], sizes = [1], strides = [1]} : vector<16xf32> to vector<1xf32>
      %squeeze3A_183 = vector.extract %slice3A_182[0] : f32 from vector<1xf32>
      %slice3A_184 = vector.extract_strided_slice %get3A_146 {offsets = [0], sizes = [1], strides = [1]} : vector<16xf32> to vector<1xf32>
      %squeeze3A_185 = vector.extract %slice3A_184[0] : f32 from vector<1xf32>
      %slice3A_186 = vector.extract_strided_slice %get3A_149 {offsets = [0], sizes = [1], strides = [1]} : vector<16xf32> to vector<1xf32>
      %squeeze3A_187 = vector.extract %slice3A_186[0] : f32 from vector<1xf32>
      %slice3A_188 = vector.extract_strided_slice %get3A_152 {offsets = [0], sizes = [1], strides = [1]} : vector<16xf32> to vector<1xf32>
      %squeeze3A_189 = vector.extract %slice3A_188[0] : f32 from vector<1xf32>
      %slice3A_190 = vector.extract_strided_slice %get3A_155 {offsets = [0], sizes = [1], strides = [1]} : vector<16xf32> to vector<1xf32>
      %squeeze3A_191 = vector.extract %slice3A_190[0] : f32 from vector<1xf32>
      %slice3A_192 = vector.extract_strided_slice %get3A_158 {offsets = [0], sizes = [1], strides = [1]} : vector<16xf32> to vector<1xf32>
      %squeeze3A_193 = vector.extract %slice3A_192[0] : f32 from vector<1xf32>
      %slice3A_194 = vector.extract_strided_slice %get3A_161 {offsets = [0], sizes = [1], strides = [1]} : vector<16xf32> to vector<1xf32>
      %squeeze3A_195 = vector.extract %slice3A_194[0] : f32 from vector<1xf32>
      %slice3A_196 = vector.extract_strided_slice %get3A_164 {offsets = [0], sizes = [1], strides = [1]} : vector<16xf32> to vector<1xf32>
      %squeeze3A_197 = vector.extract %slice3A_196[0] : f32 from vector<1xf32>
      %slice3A_198 = vector.extract_strided_slice %get3A_167 {offsets = [0], sizes = [1], strides = [1]} : vector<16xf32> to vector<1xf32>
      %squeeze3A_199 = vector.extract %slice3A_198[0] : f32 from vector<1xf32>
      %slice3A_200 = vector.extract_strided_slice %get3A_122 {offsets = [1], sizes = [1], strides = [1]} : vector<16xf32> to vector<1xf32>
      %squeeze3A_201 = vector.extract %slice3A_200[0] : f32 from vector<1xf32>
      %slice3A_202 = vector.extract_strided_slice %get3A_125 {offsets = [1], sizes = [1], strides = [1]} : vector<16xf32> to vector<1xf32>
      %squeeze3A_203 = vector.extract %slice3A_202[0] : f32 from vector<1xf32>
      %slice3A_204 = vector.extract_strided_slice %get3A_128 {offsets = [1], sizes = [1], strides = [1]} : vector<16xf32> to vector<1xf32>
      %squeeze3A_205 = vector.extract %slice3A_204[0] : f32 from vector<1xf32>
      %slice3A_206 = vector.extract_strided_slice %get3A_131 {offsets = [1], sizes = [1], strides = [1]} : vector<16xf32> to vector<1xf32>
      %squeeze3A_207 = vector.extract %slice3A_206[0] : f32 from vector<1xf32>
      %slice3A_208 = vector.extract_strided_slice %get3A_134 {offsets = [1], sizes = [1], strides = [1]} : vector<16xf32> to vector<1xf32>
      %squeeze3A_209 = vector.extract %slice3A_208[0] : f32 from vector<1xf32>
      %slice3A_210 = vector.extract_strided_slice %get3A_137 {offsets = [1], sizes = [1], strides = [1]} : vector<16xf32> to vector<1xf32>
      %squeeze3A_211 = vector.extract %slice3A_210[0] : f32 from vector<1xf32>
      %slice3A_212 = vector.extract_strided_slice %get3A_140 {offsets = [1], sizes = [1], strides = [1]} : vector<16xf32> to vector<1xf32>
      %squeeze3A_213 = vector.extract %slice3A_212[0] : f32 from vector<1xf32>
      %slice3A_214 = vector.extract_strided_slice %get3A_143 {offsets = [1], sizes = [1], strides = [1]} : vector<16xf32> to vector<1xf32>
      %squeeze3A_215 = vector.extract %slice3A_214[0] : f32 from vector<1xf32>
      %slice3A_216 = vector.extract_strided_slice %get3A_146 {offsets = [1], sizes = [1], strides = [1]} : vector<16xf32> to vector<1xf32>
      %squeeze3A_217 = vector.extract %slice3A_216[0] : f32 from vector<1xf32>
      %slice3A_218 = vector.extract_strided_slice %get3A_149 {offsets = [1], sizes = [1], strides = [1]} : vector<16xf32> to vector<1xf32>
      %squeeze3A_219 = vector.extract %slice3A_218[0] : f32 from vector<1xf32>
      %slice3A_220 = vector.extract_strided_slice %get3A_152 {offsets = [1], sizes = [1], strides = [1]} : vector<16xf32> to vector<1xf32>
      %squeeze3A_221 = vector.extract %slice3A_220[0] : f32 from vector<1xf32>
      %slice3A_222 = vector.extract_strided_slice %get3A_155 {offsets = [1], sizes = [1], strides = [1]} : vector<16xf32> to vector<1xf32>
      %squeeze3A_223 = vector.extract %slice3A_222[0] : f32 from vector<1xf32>
      %slice3A_224 = vector.extract_strided_slice %get3A_158 {offsets = [1], sizes = [1], strides = [1]} : vector<16xf32> to vector<1xf32>
      %squeeze3A_225 = vector.extract %slice3A_224[0] : f32 from vector<1xf32>
      %slice3A_226 = vector.extract_strided_slice %get3A_161 {offsets = [1], sizes = [1], strides = [1]} : vector<16xf32> to vector<1xf32>
      %squeeze3A_227 = vector.extract %slice3A_226[0] : f32 from vector<1xf32>
      %slice3A_228 = vector.extract_strided_slice %get3A_164 {offsets = [1], sizes = [1], strides = [1]} : vector<16xf32> to vector<1xf32>
      %squeeze3A_229 = vector.extract %slice3A_228[0] : f32 from vector<1xf32>
      %slice3A_230 = vector.extract_strided_slice %get3A_167 {offsets = [1], sizes = [1], strides = [1]} : vector<16xf32> to vector<1xf32>
      %squeeze3A_231 = vector.extract %slice3A_230[0] : f32 from vector<1xf32>
      %max3A_232 = arith.maximumf %squeeze3A_169, %squeeze3A_171 : f32
      %max3A_233 = arith.maximumf %max3A_232, %squeeze3A_173 : f32
      %max3A_234 = arith.maximumf %max3A_233, %squeeze3A_175 : f32
      %max3A_235 = arith.maximumf %max3A_234, %squeeze3A_177 : f32
      %max3A_236 = arith.maximumf %max3A_235, %squeeze3A_179 : f32
      %max3A_237 = arith.maximumf %max3A_236, %squeeze3A_181 : f32
      %max3A_238 = arith.maximumf %max3A_237, %squeeze3A_183 : f32
      %max3A_239 = arith.maximumf %max3A_238, %squeeze3A_185 : f32
      %max3A_240 = arith.maximumf %max3A_239, %squeeze3A_187 : f32
      %max3A_241 = arith.maximumf %max3A_240, %squeeze3A_189 : f32
      %max3A_242 = arith.maximumf %max3A_241, %squeeze3A_191 : f32
      %max3A_243 = arith.maximumf %max3A_242, %squeeze3A_193 : f32
      %max3A_244 = arith.maximumf %max3A_243, %squeeze3A_195 : f32
      %max3A_245 = arith.maximumf %max3A_244, %squeeze3A_197 : f32
      %max3A_246 = arith.maximumf %max3A_245, %squeeze3A_199 : f32
      %broadcast_in_dim3A_247 = vector.broadcast %max3A_246 : f32 to vector<16xf32>
      %broadcast_in_dim3A_248 = arith.constant 1.000000e+00 : f32
      %broadcast_in_dim3A_249 = vector.broadcast %broadcast_in_dim3A_248 : f32 to vector<16xf32>
      %broadcast_in_dim3A_250 = arith.constant 0.000000e+00 : f32
      %broadcast_in_dim3A_251 = vector.broadcast %broadcast_in_dim3A_250 : f32 to vector<16xf32>
      %broadcast_in_dim3A_252 = arith.constant 3.000000e+38 : f32
      %broadcast_in_dim3A_253 = vector.broadcast %broadcast_in_dim3A_252 : f32 to vector<16xf32>
      %broadcast_in_dim3A_254 = vector.broadcast %squeeze3A_169 : f32 to vector<16xf32>
      %eq3A_255 = arith.cmpf oeq, %broadcast_in_dim3A_254, %broadcast_in_dim3A_247 : vector<16xf32>
      %broadcast_in_dim3A_256 = vector.broadcast %squeeze3A_201 : f32 to vector<16xf32>
      %broadcast_in_dim3A_257 = arith.constant 3.000000e+38 : f32
      %broadcast_in_dim3A_258 = vector.broadcast %broadcast_in_dim3A_257 : f32 to vector<16xf32>
      %select_n3A_259 = arith.select %eq3A_255, %broadcast_in_dim3A_256, %broadcast_in_dim3A_258 : vector<16xi1>, vector<16xf32>
      %min3A_260 = arith.minimumf %broadcast_in_dim3A_253, %select_n3A_259 : vector<16xf32>
      %broadcast_in_dim3A_261 = vector.broadcast %squeeze3A_171 : f32 to vector<16xf32>
      %eq3A_262 = arith.cmpf oeq, %broadcast_in_dim3A_261, %broadcast_in_dim3A_247 : vector<16xf32>
      %broadcast_in_dim3A_263 = vector.broadcast %squeeze3A_203 : f32 to vector<16xf32>
      %broadcast_in_dim3A_264 = arith.constant 3.000000e+38 : f32
      %broadcast_in_dim3A_265 = vector.broadcast %broadcast_in_dim3A_264 : f32 to vector<16xf32>
      %select_n3A_266 = arith.select %eq3A_262, %broadcast_in_dim3A_263, %broadcast_in_dim3A_265 : vector<16xi1>, vector<16xf32>
      %min3A_267 = arith.minimumf %min3A_260, %select_n3A_266 : vector<16xf32>
      %broadcast_in_dim3A_268 = vector.broadcast %squeeze3A_173 : f32 to vector<16xf32>
      %eq3A_269 = arith.cmpf oeq, %broadcast_in_dim3A_268, %broadcast_in_dim3A_247 : vector<16xf32>
      %broadcast_in_dim3A_270 = vector.broadcast %squeeze3A_205 : f32 to vector<16xf32>
      %broadcast_in_dim3A_271 = arith.constant 3.000000e+38 : f32
      %broadcast_in_dim3A_272 = vector.broadcast %broadcast_in_dim3A_271 : f32 to vector<16xf32>
      %select_n3A_273 = arith.select %eq3A_269, %broadcast_in_dim3A_270, %broadcast_in_dim3A_272 : vector<16xi1>, vector<16xf32>
      %min3A_274 = arith.minimumf %min3A_267, %select_n3A_273 : vector<16xf32>
      %broadcast_in_dim3A_275 = vector.broadcast %squeeze3A_175 : f32 to vector<16xf32>
      %eq3A_276 = arith.cmpf oeq, %broadcast_in_dim3A_275, %broadcast_in_dim3A_247 : vector<16xf32>
      %broadcast_in_dim3A_277 = vector.broadcast %squeeze3A_207 : f32 to vector<16xf32>
      %broadcast_in_dim3A_278 = arith.constant 3.000000e+38 : f32
      %broadcast_in_dim3A_279 = vector.broadcast %broadcast_in_dim3A_278 : f32 to vector<16xf32>
      %select_n3A_280 = arith.select %eq3A_276, %broadcast_in_dim3A_277, %broadcast_in_dim3A_279 : vector<16xi1>, vector<16xf32>
      %min3A_281 = arith.minimumf %min3A_274, %select_n3A_280 : vector<16xf32>
      %broadcast_in_dim3A_282 = vector.broadcast %squeeze3A_177 : f32 to vector<16xf32>
      %eq3A_283 = arith.cmpf oeq, %broadcast_in_dim3A_282, %broadcast_in_dim3A_247 : vector<16xf32>
      %broadcast_in_dim3A_284 = vector.broadcast %squeeze3A_209 : f32 to vector<16xf32>
      %broadcast_in_dim3A_285 = arith.constant 3.000000e+38 : f32
      %broadcast_in_dim3A_286 = vector.broadcast %broadcast_in_dim3A_285 : f32 to vector<16xf32>
      %select_n3A_287 = arith.select %eq3A_283, %broadcast_in_dim3A_284, %broadcast_in_dim3A_286 : vector<16xi1>, vector<16xf32>
      %min3A_288 = arith.minimumf %min3A_281, %select_n3A_287 : vector<16xf32>
      %broadcast_in_dim3A_289 = vector.broadcast %squeeze3A_179 : f32 to vector<16xf32>
      %eq3A_290 = arith.cmpf oeq, %broadcast_in_dim3A_289, %broadcast_in_dim3A_247 : vector<16xf32>
      %broadcast_in_dim3A_291 = vector.broadcast %squeeze3A_211 : f32 to vector<16xf32>
      %broadcast_in_dim3A_292 = arith.constant 3.000000e+38 : f32
      %broadcast_in_dim3A_293 = vector.broadcast %broadcast_in_dim3A_292 : f32 to vector<16xf32>
      %select_n3A_294 = arith.select %eq3A_290, %broadcast_in_dim3A_291, %broadcast_in_dim3A_293 : vector<16xi1>, vector<16xf32>
      %min3A_295 = arith.minimumf %min3A_288, %select_n3A_294 : vector<16xf32>
      %broadcast_in_dim3A_296 = vector.broadcast %squeeze3A_181 : f32 to vector<16xf32>
      %eq3A_297 = arith.cmpf oeq, %broadcast_in_dim3A_296, %broadcast_in_dim3A_247 : vector<16xf32>
      %broadcast_in_dim3A_298 = vector.broadcast %squeeze3A_213 : f32 to vector<16xf32>
      %broadcast_in_dim3A_299 = arith.constant 3.000000e+38 : f32
      %broadcast_in_dim3A_300 = vector.broadcast %broadcast_in_dim3A_299 : f32 to vector<16xf32>
      %select_n3A_301 = arith.select %eq3A_297, %broadcast_in_dim3A_298, %broadcast_in_dim3A_300 : vector<16xi1>, vector<16xf32>
      %min3A_302 = arith.minimumf %min3A_295, %select_n3A_301 : vector<16xf32>
      %broadcast_in_dim3A_303 = vector.broadcast %squeeze3A_183 : f32 to vector<16xf32>
      %eq3A_304 = arith.cmpf oeq, %broadcast_in_dim3A_303, %broadcast_in_dim3A_247 : vector<16xf32>
      %broadcast_in_dim3A_305 = vector.broadcast %squeeze3A_215 : f32 to vector<16xf32>
      %broadcast_in_dim3A_306 = arith.constant 3.000000e+38 : f32
      %broadcast_in_dim3A_307 = vector.broadcast %broadcast_in_dim3A_306 : f32 to vector<16xf32>
      %select_n3A_308 = arith.select %eq3A_304, %broadcast_in_dim3A_305, %broadcast_in_dim3A_307 : vector<16xi1>, vector<16xf32>
      %min3A_309 = arith.minimumf %min3A_302, %select_n3A_308 : vector<16xf32>
      %broadcast_in_dim3A_310 = vector.broadcast %squeeze3A_185 : f32 to vector<16xf32>
      %eq3A_311 = arith.cmpf oeq, %broadcast_in_dim3A_310, %broadcast_in_dim3A_247 : vector<16xf32>
      %broadcast_in_dim3A_312 = vector.broadcast %squeeze3A_217 : f32 to vector<16xf32>
      %broadcast_in_dim3A_313 = arith.constant 3.000000e+38 : f32
      %broadcast_in_dim3A_314 = vector.broadcast %broadcast_in_dim3A_313 : f32 to vector<16xf32>
      %select_n3A_315 = arith.select %eq3A_311, %broadcast_in_dim3A_312, %broadcast_in_dim3A_314 : vector<16xi1>, vector<16xf32>
      %min3A_316 = arith.minimumf %min3A_309, %select_n3A_315 : vector<16xf32>
      %broadcast_in_dim3A_317 = vector.broadcast %squeeze3A_187 : f32 to vector<16xf32>
      %eq3A_318 = arith.cmpf oeq, %broadcast_in_dim3A_317, %broadcast_in_dim3A_247 : vector<16xf32>
      %broadcast_in_dim3A_319 = vector.broadcast %squeeze3A_219 : f32 to vector<16xf32>
      %broadcast_in_dim3A_320 = arith.constant 3.000000e+38 : f32
      %broadcast_in_dim3A_321 = vector.broadcast %broadcast_in_dim3A_320 : f32 to vector<16xf32>
      %select_n3A_322 = arith.select %eq3A_318, %broadcast_in_dim3A_319, %broadcast_in_dim3A_321 : vector<16xi1>, vector<16xf32>
      %min3A_323 = arith.minimumf %min3A_316, %select_n3A_322 : vector<16xf32>
      %broadcast_in_dim3A_324 = vector.broadcast %squeeze3A_189 : f32 to vector<16xf32>
      %eq3A_325 = arith.cmpf oeq, %broadcast_in_dim3A_324, %broadcast_in_dim3A_247 : vector<16xf32>
      %broadcast_in_dim3A_326 = vector.broadcast %squeeze3A_221 : f32 to vector<16xf32>
      %broadcast_in_dim3A_327 = arith.constant 3.000000e+38 : f32
      %broadcast_in_dim3A_328 = vector.broadcast %broadcast_in_dim3A_327 : f32 to vector<16xf32>
      %select_n3A_329 = arith.select %eq3A_325, %broadcast_in_dim3A_326, %broadcast_in_dim3A_328 : vector<16xi1>, vector<16xf32>
      %min3A_330 = arith.minimumf %min3A_323, %select_n3A_329 : vector<16xf32>
      %broadcast_in_dim3A_331 = vector.broadcast %squeeze3A_191 : f32 to vector<16xf32>
      %eq3A_332 = arith.cmpf oeq, %broadcast_in_dim3A_331, %broadcast_in_dim3A_247 : vector<16xf32>
      %broadcast_in_dim3A_333 = vector.broadcast %squeeze3A_223 : f32 to vector<16xf32>
      %broadcast_in_dim3A_334 = arith.constant 3.000000e+38 : f32
      %broadcast_in_dim3A_335 = vector.broadcast %broadcast_in_dim3A_334 : f32 to vector<16xf32>
      %select_n3A_336 = arith.select %eq3A_332, %broadcast_in_dim3A_333, %broadcast_in_dim3A_335 : vector<16xi1>, vector<16xf32>
      %min3A_337 = arith.minimumf %min3A_330, %select_n3A_336 : vector<16xf32>
      %broadcast_in_dim3A_338 = vector.broadcast %squeeze3A_193 : f32 to vector<16xf32>
      %eq3A_339 = arith.cmpf oeq, %broadcast_in_dim3A_338, %broadcast_in_dim3A_247 : vector<16xf32>
      %broadcast_in_dim3A_340 = vector.broadcast %squeeze3A_225 : f32 to vector<16xf32>
      %broadcast_in_dim3A_341 = arith.constant 3.000000e+38 : f32
      %broadcast_in_dim3A_342 = vector.broadcast %broadcast_in_dim3A_341 : f32 to vector<16xf32>
      %select_n3A_343 = arith.select %eq3A_339, %broadcast_in_dim3A_340, %broadcast_in_dim3A_342 : vector<16xi1>, vector<16xf32>
      %min3A_344 = arith.minimumf %min3A_337, %select_n3A_343 : vector<16xf32>
      %broadcast_in_dim3A_345 = vector.broadcast %squeeze3A_195 : f32 to vector<16xf32>
      %eq3A_346 = arith.cmpf oeq, %broadcast_in_dim3A_345, %broadcast_in_dim3A_247 : vector<16xf32>
      %broadcast_in_dim3A_347 = vector.broadcast %squeeze3A_227 : f32 to vector<16xf32>
      %broadcast_in_dim3A_348 = arith.constant 3.000000e+38 : f32
      %broadcast_in_dim3A_349 = vector.broadcast %broadcast_in_dim3A_348 : f32 to vector<16xf32>
      %select_n3A_350 = arith.select %eq3A_346, %broadcast_in_dim3A_347, %broadcast_in_dim3A_349 : vector<16xi1>, vector<16xf32>
      %min3A_351 = arith.minimumf %min3A_344, %select_n3A_350 : vector<16xf32>
      %broadcast_in_dim3A_352 = vector.broadcast %squeeze3A_197 : f32 to vector<16xf32>
      %eq3A_353 = arith.cmpf oeq, %broadcast_in_dim3A_352, %broadcast_in_dim3A_247 : vector<16xf32>
      %broadcast_in_dim3A_354 = vector.broadcast %squeeze3A_229 : f32 to vector<16xf32>
      %broadcast_in_dim3A_355 = arith.constant 3.000000e+38 : f32
      %broadcast_in_dim3A_356 = vector.broadcast %broadcast_in_dim3A_355 : f32 to vector<16xf32>
      %select_n3A_357 = arith.select %eq3A_353, %broadcast_in_dim3A_354, %broadcast_in_dim3A_356 : vector<16xi1>, vector<16xf32>
      %min3A_358 = arith.minimumf %min3A_351, %select_n3A_357 : vector<16xf32>
      %broadcast_in_dim3A_359 = vector.broadcast %squeeze3A_199 : f32 to vector<16xf32>
      %eq3A_360 = arith.cmpf oeq, %broadcast_in_dim3A_359, %broadcast_in_dim3A_247 : vector<16xf32>
      %broadcast_in_dim3A_361 = vector.broadcast %squeeze3A_231 : f32 to vector<16xf32>
      %broadcast_in_dim3A_362 = arith.constant 3.000000e+38 : f32
      %broadcast_in_dim3A_363 = vector.broadcast %broadcast_in_dim3A_362 : f32 to vector<16xf32>
      %select_n3A_364 = arith.select %eq3A_360, %broadcast_in_dim3A_361, %broadcast_in_dim3A_363 : vector<16xi1>, vector<16xf32>
      %min3A_365 = arith.minimumf %min3A_358, %select_n3A_364 : vector<16xf32>
      %eq3A_366 = arith.cmpf oeq, %select_n3A_259, %min3A_365 : vector<16xf32>
      %select_n3A_367 = arith.select %eq3A_366, %broadcast_in_dim3A_249, %broadcast_in_dim3A_251 : vector<16xi1>, vector<16xf32>
      %sub3A_368 = arith.subf %broadcast_in_dim3A_249, %broadcast_in_dim3A_251 : vector<16xf32>
      %mul3A_369 = arith.mulf %select_n3A_367, %sub3A_368 : vector<16xf32>
      %add3A_370 = arith.addf %broadcast_in_dim3A_251, %mul3A_369 : vector<16xf32>
      %get3A_371 = arith.constant 16 : index
      %get3A_372 = tpu.vector_load %arg9[%get3A_371] {strides = array<i32>} : memref<1024xf32, #tpu.memory_space<vmem>>, vector<16xf32>,
      %get3A_373 = vector.shape_cast %get3A_372 : vector<16xf32> to vector<16xf32>
      %mul3A_374 = arith.mulf %mul3A_369, %get3A_373 : vector<16xf32>
      %add3A_375 = arith.addf %broadcast_in_dim3A_251, %mul3A_374 : vector<16xf32>
      %get3A_376 = arith.constant 32 : index
      %get3A_377 = tpu.vector_load %arg9[%get3A_376] {strides = array<i32>} : memref<1024xf32, #tpu.memory_space<vmem>>, vector<16xf32>,
      %get3A_378 = vector.shape_cast %get3A_377 : vector<16xf32> to vector<16xf32>
      %mul3A_379 = arith.mulf %mul3A_369, %get3A_378 : vector<16xf32>
      %add3A_380 = arith.addf %broadcast_in_dim3A_251, %mul3A_379 : vector<16xf32>
      %eq3A_381 = arith.cmpf oeq, %select_n3A_266, %min3A_365 : vector<16xf32>
      %select_n3A_382 = arith.select %eq3A_381, %broadcast_in_dim3A_249, %broadcast_in_dim3A_251 : vector<16xi1>, vector<16xf32>
      %sub3A_383 = arith.subf %broadcast_in_dim3A_249, %add3A_370 : vector<16xf32>
      %mul3A_384 = arith.mulf %select_n3A_382, %sub3A_383 : vector<16xf32>
      %add3A_385 = arith.addf %add3A_370, %mul3A_384 : vector<16xf32>
      %get3A_386 = arith.constant 80 : index
      %get3A_387 = tpu.vector_load %arg9[%get3A_386] {strides = array<i32>} : memref<1024xf32, #tpu.memory_space<vmem>>, vector<16xf32>,
      %get3A_388 = vector.shape_cast %get3A_387 : vector<16xf32> to vector<16xf32>
      %mul3A_389 = arith.mulf %mul3A_384, %get3A_388 : vector<16xf32>
      %add3A_390 = arith.addf %add3A_375, %mul3A_389 : vector<16xf32>
      %get3A_391 = arith.constant 96 : index
      %get3A_392 = tpu.vector_load %arg9[%get3A_391] {strides = array<i32>} : memref<1024xf32, #tpu.memory_space<vmem>>, vector<16xf32>,
      %get3A_393 = vector.shape_cast %get3A_392 : vector<16xf32> to vector<16xf32>
      %mul3A_394 = arith.mulf %mul3A_384, %get3A_393 : vector<16xf32>
      %add3A_395 = arith.addf %add3A_380, %mul3A_394 : vector<16xf32>
      %eq3A_396 = arith.cmpf oeq, %select_n3A_273, %min3A_365 : vector<16xf32>
      %select_n3A_397 = arith.select %eq3A_396, %broadcast_in_dim3A_249, %broadcast_in_dim3A_251 : vector<16xi1>, vector<16xf32>
      %sub3A_398 = arith.subf %broadcast_in_dim3A_249, %add3A_385 : vector<16xf32>
      %mul3A_399 = arith.mulf %select_n3A_397, %sub3A_398 : vector<16xf32>
      %add3A_400 = arith.addf %add3A_385, %mul3A_399 : vector<16xf32>
      %get3A_401 = arith.constant 144 : index
      %get3A_402 = tpu.vector_load %arg9[%get3A_401] {strides = array<i32>} : memref<1024xf32, #tpu.memory_space<vmem>>, vector<16xf32>,
      %get3A_403 = vector.shape_cast %get3A_402 : vector<16xf32> to vector<16xf32>
      %mul3A_404 = arith.mulf %mul3A_399, %get3A_403 : vector<16xf32>
      %add3A_405 = arith.addf %add3A_390, %mul3A_404 : vector<16xf32>
      %get3A_406 = arith.constant 160 : index
      %get3A_407 = tpu.vector_load %arg9[%get3A_406] {strides = array<i32>} : memref<1024xf32, #tpu.memory_space<vmem>>, vector<16xf32>,
      %get3A_408 = vector.shape_cast %get3A_407 : vector<16xf32> to vector<16xf32>
      %mul3A_409 = arith.mulf %mul3A_399, %get3A_408 : vector<16xf32>
      %add3A_410 = arith.addf %add3A_395, %mul3A_409 : vector<16xf32>
      %eq3A_411 = arith.cmpf oeq, %select_n3A_280, %min3A_365 : vector<16xf32>
      %select_n3A_412 = arith.select %eq3A_411, %broadcast_in_dim3A_249, %broadcast_in_dim3A_251 : vector<16xi1>, vector<16xf32>
      %sub3A_413 = arith.subf %broadcast_in_dim3A_249, %add3A_400 : vector<16xf32>
      %mul3A_414 = arith.mulf %select_n3A_412, %sub3A_413 : vector<16xf32>
      %add3A_415 = arith.addf %add3A_400, %mul3A_414 : vector<16xf32>
      %get3A_416 = arith.constant 208 : index
      %get3A_417 = tpu.vector_load %arg9[%get3A_416] {strides = array<i32>} : memref<1024xf32, #tpu.memory_space<vmem>>, vector<16xf32>,
      %get3A_418 = vector.shape_cast %get3A_417 : vector<16xf32> to vector<16xf32>
      %mul3A_419 = arith.mulf %mul3A_414, %get3A_418 : vector<16xf32>
      %add3A_420 = arith.addf %add3A_405, %mul3A_419 : vector<16xf32>
      %get3A_421 = arith.constant 224 : index
      %get3A_422 = tpu.vector_load %arg9[%get3A_421] {strides = array<i32>} : memref<1024xf32, #tpu.memory_space<vmem>>, vector<16xf32>,
      %get3A_423 = vector.shape_cast %get3A_422 : vector<16xf32> to vector<16xf32>
      %mul3A_424 = arith.mulf %mul3A_414, %get3A_423 : vector<16xf32>
      %add3A_425 = arith.addf %add3A_410, %mul3A_424 : vector<16xf32>
      %eq3A_426 = arith.cmpf oeq, %select_n3A_287, %min3A_365 : vector<16xf32>
      %select_n3A_427 = arith.select %eq3A_426, %broadcast_in_dim3A_249, %broadcast_in_dim3A_251 : vector<16xi1>, vector<16xf32>
      %sub3A_428 = arith.subf %broadcast_in_dim3A_249, %add3A_415 : vector<16xf32>
      %mul3A_429 = arith.mulf %select_n3A_427, %sub3A_428 : vector<16xf32>
      %add3A_430 = arith.addf %add3A_415, %mul3A_429 : vector<16xf32>
      %get3A_431 = arith.constant 272 : index
      %get3A_432 = tpu.vector_load %arg9[%get3A_431] {strides = array<i32>} : memref<1024xf32, #tpu.memory_space<vmem>>, vector<16xf32>,
      %get3A_433 = vector.shape_cast %get3A_432 : vector<16xf32> to vector<16xf32>
      %mul3A_434 = arith.mulf %mul3A_429, %get3A_433 : vector<16xf32>
      %add3A_435 = arith.addf %add3A_420, %mul3A_434 : vector<16xf32>
      %get3A_436 = arith.constant 288 : index
      %get3A_437 = tpu.vector_load %arg9[%get3A_436] {strides = array<i32>} : memref<1024xf32, #tpu.memory_space<vmem>>, vector<16xf32>,
      %get3A_438 = vector.shape_cast %get3A_437 : vector<16xf32> to vector<16xf32>
      %mul3A_439 = arith.mulf %mul3A_429, %get3A_438 : vector<16xf32>
      %add3A_440 = arith.addf %add3A_425, %mul3A_439 : vector<16xf32>
      %eq3A_441 = arith.cmpf oeq, %select_n3A_294, %min3A_365 : vector<16xf32>
      %select_n3A_442 = arith.select %eq3A_441, %broadcast_in_dim3A_249, %broadcast_in_dim3A_251 : vector<16xi1>, vector<16xf32>
      %sub3A_443 = arith.subf %broadcast_in_dim3A_249, %add3A_430 : vector<16xf32>
      %mul3A_444 = arith.mulf %select_n3A_442, %sub3A_443 : vector<16xf32>
      %add3A_445 = arith.addf %add3A_430, %mul3A_444 : vector<16xf32>
      %get3A_446 = arith.constant 336 : index
      %get3A_447 = tpu.vector_load %arg9[%get3A_446] {strides = array<i32>} : memref<1024xf32, #tpu.memory_space<vmem>>, vector<16xf32>,
      %get3A_448 = vector.shape_cast %get3A_447 : vector<16xf32> to vector<16xf32>
      %mul3A_449 = arith.mulf %mul3A_444, %get3A_448 : vector<16xf32>
      %add3A_450 = arith.addf %add3A_435, %mul3A_449 : vector<16xf32>
      %get3A_451 = arith.constant 352 : index
      %get3A_452 = tpu.vector_load %arg9[%get3A_451] {strides = array<i32>} : memref<1024xf32, #tpu.memory_space<vmem>>, vector<16xf32>,
      %get3A_453 = vector.shape_cast %get3A_452 : vector<16xf32> to vector<16xf32>
      %mul3A_454 = arith.mulf %mul3A_444, %get3A_453 : vector<16xf32>
      %add3A_455 = arith.addf %add3A_440, %mul3A_454 : vector<16xf32>
      %eq3A_456 = arith.cmpf oeq, %select_n3A_301, %min3A_365 : vector<16xf32>
      %select_n3A_457 = arith.select %eq3A_456, %broadcast_in_dim3A_249, %broadcast_in_dim3A_251 : vector<16xi1>, vector<16xf32>
      %sub3A_458 = arith.subf %broadcast_in_dim3A_249, %add3A_445 : vector<16xf32>
      %mul3A_459 = arith.mulf %select_n3A_457, %sub3A_458 : vector<16xf32>
      %add3A_460 = arith.addf %add3A_445, %mul3A_459 : vector<16xf32>
      %get3A_461 = arith.constant 400 : index
      %get3A_462 = tpu.vector_load %arg9[%get3A_461] {strides = array<i32>} : memref<1024xf32, #tpu.memory_space<vmem>>, vector<16xf32>,
      %get3A_463 = vector.shape_cast %get3A_462 : vector<16xf32> to vector<16xf32>
      %mul3A_464 = arith.mulf %mul3A_459, %get3A_463 : vector<16xf32>
      %add3A_465 = arith.addf %add3A_450, %mul3A_464 : vector<16xf32>
      %get3A_466 = arith.constant 416 : index
      %get3A_467 = tpu.vector_load %arg9[%get3A_466] {strides = array<i32>} : memref<1024xf32, #tpu.memory_space<vmem>>, vector<16xf32>,
      %get3A_468 = vector.shape_cast %get3A_467 : vector<16xf32> to vector<16xf32>
      %mul3A_469 = arith.mulf %mul3A_459, %get3A_468 : vector<16xf32>
      %add3A_470 = arith.addf %add3A_455, %mul3A_469 : vector<16xf32>
      %eq3A_471 = arith.cmpf oeq, %select_n3A_308, %min3A_365 : vector<16xf32>
      %select_n3A_472 = arith.select %eq3A_471, %broadcast_in_dim3A_249, %broadcast_in_dim3A_251 : vector<16xi1>, vector<16xf32>
      %sub3A_473 = arith.subf %broadcast_in_dim3A_249, %add3A_460 : vector<16xf32>
      %mul3A_474 = arith.mulf %select_n3A_472, %sub3A_473 : vector<16xf32>
      %add3A_475 = arith.addf %add3A_460, %mul3A_474 : vector<16xf32>
      %get3A_476 = arith.constant 464 : index
      %get3A_477 = tpu.vector_load %arg9[%get3A_476] {strides = array<i32>} : memref<1024xf32, #tpu.memory_space<vmem>>, vector<16xf32>,
      %get3A_478 = vector.shape_cast %get3A_477 : vector<16xf32> to vector<16xf32>
      %mul3A_479 = arith.mulf %mul3A_474, %get3A_478 : vector<16xf32>
      %add3A_480 = arith.addf %add3A_465, %mul3A_479 : vector<16xf32>
      %get3A_481 = arith.constant 480 : index
      %get3A_482 = tpu.vector_load %arg9[%get3A_481] {strides = array<i32>} : memref<1024xf32, #tpu.memory_space<vmem>>, vector<16xf32>,
      %get3A_483 = vector.shape_cast %get3A_482 : vector<16xf32> to vector<16xf32>
      %mul3A_484 = arith.mulf %mul3A_474, %get3A_483 : vector<16xf32>
      %add3A_485 = arith.addf %add3A_470, %mul3A_484 : vector<16xf32>
      %eq3A_486 = arith.cmpf oeq, %select_n3A_315, %min3A_365 : vector<16xf32>
      %select_n3A_487 = arith.select %eq3A_486, %broadcast_in_dim3A_249, %broadcast_in_dim3A_251 : vector<16xi1>, vector<16xf32>
      %sub3A_488 = arith.subf %broadcast_in_dim3A_249, %add3A_475 : vector<16xf32>
      %mul3A_489 = arith.mulf %select_n3A_487, %sub3A_488 : vector<16xf32>
      %add3A_490 = arith.addf %add3A_475, %mul3A_489 : vector<16xf32>
      %get3A_491 = arith.constant 528 : index
      %get3A_492 = tpu.vector_load %arg9[%get3A_491] {strides = array<i32>} : memref<1024xf32, #tpu.memory_space<vmem>>, vector<16xf32>,
      %get3A_493 = vector.shape_cast %get3A_492 : vector<16xf32> to vector<16xf32>
      %mul3A_494 = arith.mulf %mul3A_489, %get3A_493 : vector<16xf32>
      %add3A_495 = arith.addf %add3A_480, %mul3A_494 : vector<16xf32>
      %get3A_496 = arith.constant 544 : index
      %get3A_497 = tpu.vector_load %arg9[%get3A_496] {strides = array<i32>} : memref<1024xf32, #tpu.memory_space<vmem>>, vector<16xf32>,
      %get3A_498 = vector.shape_cast %get3A_497 : vector<16xf32> to vector<16xf32>
      %mul3A_499 = arith.mulf %mul3A_489, %get3A_498 : vector<16xf32>
      %add3A_500 = arith.addf %add3A_485, %mul3A_499 : vector<16xf32>
      %eq3A_501 = arith.cmpf oeq, %select_n3A_322, %min3A_365 : vector<16xf32>
      %select_n3A_502 = arith.select %eq3A_501, %broadcast_in_dim3A_249, %broadcast_in_dim3A_251 : vector<16xi1>, vector<16xf32>
      %sub3A_503 = arith.subf %broadcast_in_dim3A_249, %add3A_490 : vector<16xf32>
      %mul3A_504 = arith.mulf %select_n3A_502, %sub3A_503 : vector<16xf32>
      %add3A_505 = arith.addf %add3A_490, %mul3A_504 : vector<16xf32>
      %get3A_506 = arith.constant 592 : index
      %get3A_507 = tpu.vector_load %arg9[%get3A_506] {strides = array<i32>} : memref<1024xf32, #tpu.memory_space<vmem>>, vector<16xf32>,
      %get3A_508 = vector.shape_cast %get3A_507 : vector<16xf32> to vector<16xf32>
      %mul3A_509 = arith.mulf %mul3A_504, %get3A_508 : vector<16xf32>
      %add3A_510 = arith.addf %add3A_495, %mul3A_509 : vector<16xf32>
      %get3A_511 = arith.constant 608 : index
      %get3A_512 = tpu.vector_load %arg9[%get3A_511] {strides = array<i32>} : memref<1024xf32, #tpu.memory_space<vmem>>, vector<16xf32>,
      %get3A_513 = vector.shape_cast %get3A_512 : vector<16xf32> to vector<16xf32>
      %mul3A_514 = arith.mulf %mul3A_504, %get3A_513 : vector<16xf32>
      %add3A_515 = arith.addf %add3A_500, %mul3A_514 : vector<16xf32>
      %eq3A_516 = arith.cmpf oeq, %select_n3A_329, %min3A_365 : vector<16xf32>
      %select_n3A_517 = arith.select %eq3A_516, %broadcast_in_dim3A_249, %broadcast_in_dim3A_251 : vector<16xi1>, vector<16xf32>
      %sub3A_518 = arith.subf %broadcast_in_dim3A_249, %add3A_505 : vector<16xf32>
      %mul3A_519 = arith.mulf %select_n3A_517, %sub3A_518 : vector<16xf32>
      %add3A_520 = arith.addf %add3A_505, %mul3A_519 : vector<16xf32>
      %get3A_521 = arith.constant 656 : index
      %get3A_522 = tpu.vector_load %arg9[%get3A_521] {strides = array<i32>} : memref<1024xf32, #tpu.memory_space<vmem>>, vector<16xf32>,
      %get3A_523 = vector.shape_cast %get3A_522 : vector<16xf32> to vector<16xf32>
      %mul3A_524 = arith.mulf %mul3A_519, %get3A_523 : vector<16xf32>
      %add3A_525 = arith.addf %add3A_510, %mul3A_524 : vector<16xf32>
      %get3A_526 = arith.constant 672 : index
      %get3A_527 = tpu.vector_load %arg9[%get3A_526] {strides = array<i32>} : memref<1024xf32, #tpu.memory_space<vmem>>, vector<16xf32>,
      %get3A_528 = vector.shape_cast %get3A_527 : vector<16xf32> to vector<16xf32>
      %mul3A_529 = arith.mulf %mul3A_519, %get3A_528 : vector<16xf32>
      %add3A_530 = arith.addf %add3A_515, %mul3A_529 : vector<16xf32>
      %eq3A_531 = arith.cmpf oeq, %select_n3A_336, %min3A_365 : vector<16xf32>
      %select_n3A_532 = arith.select %eq3A_531, %broadcast_in_dim3A_249, %broadcast_in_dim3A_251 : vector<16xi1>, vector<16xf32>
      %sub3A_533 = arith.subf %broadcast_in_dim3A_249, %add3A_520 : vector<16xf32>
      %mul3A_534 = arith.mulf %select_n3A_532, %sub3A_533 : vector<16xf32>
      %add3A_535 = arith.addf %add3A_520, %mul3A_534 : vector<16xf32>
      %get3A_536 = arith.constant 720 : index
      %get3A_537 = tpu.vector_load %arg9[%get3A_536] {strides = array<i32>} : memref<1024xf32, #tpu.memory_space<vmem>>, vector<16xf32>,
      %get3A_538 = vector.shape_cast %get3A_537 : vector<16xf32> to vector<16xf32>
      %mul3A_539 = arith.mulf %mul3A_534, %get3A_538 : vector<16xf32>
      %add3A_540 = arith.addf %add3A_525, %mul3A_539 : vector<16xf32>
      %get3A_541 = arith.constant 736 : index
      %get3A_542 = tpu.vector_load %arg9[%get3A_541] {strides = array<i32>} : memref<1024xf32, #tpu.memory_space<vmem>>, vector<16xf32>,
      %get3A_543 = vector.shape_cast %get3A_542 : vector<16xf32> to vector<16xf32>
      %mul3A_544 = arith.mulf %mul3A_534, %get3A_543 : vector<16xf32>
      %add3A_545 = arith.addf %add3A_530, %mul3A_544 : vector<16xf32>
      %eq3A_546 = arith.cmpf oeq, %select_n3A_343, %min3A_365 : vector<16xf32>
      %select_n3A_547 = arith.select %eq3A_546, %broadcast_in_dim3A_249, %broadcast_in_dim3A_251 : vector<16xi1>, vector<16xf32>
      %sub3A_548 = arith.subf %broadcast_in_dim3A_249, %add3A_535 : vector<16xf32>
      %mul3A_549 = arith.mulf %select_n3A_547, %sub3A_548 : vector<16xf32>
      %add3A_550 = arith.addf %add3A_535, %mul3A_549 : vector<16xf32>
      %get3A_551 = arith.constant 784 : index
      %get3A_552 = tpu.vector_load %arg9[%get3A_551] {strides = array<i32>} : memref<1024xf32, #tpu.memory_space<vmem>>, vector<16xf32>,
      %get3A_553 = vector.shape_cast %get3A_552 : vector<16xf32> to vector<16xf32>
      %mul3A_554 = arith.mulf %mul3A_549, %get3A_553 : vector<16xf32>
      %add3A_555 = arith.addf %add3A_540, %mul3A_554 : vector<16xf32>
      %get3A_556 = arith.constant 800 : index
      %get3A_557 = tpu.vector_load %arg9[%get3A_556] {strides = array<i32>} : memref<1024xf32, #tpu.memory_space<vmem>>, vector<16xf32>,
      %get3A_558 = vector.shape_cast %get3A_557 : vector<16xf32> to vector<16xf32>
      %mul3A_559 = arith.mulf %mul3A_549, %get3A_558 : vector<16xf32>
      %add3A_560 = arith.addf %add3A_545, %mul3A_559 : vector<16xf32>
      %eq3A_561 = arith.cmpf oeq, %select_n3A_350, %min3A_365 : vector<16xf32>
      %select_n3A_562 = arith.select %eq3A_561, %broadcast_in_dim3A_249, %broadcast_in_dim3A_251 : vector<16xi1>, vector<16xf32>
      %sub3A_563 = arith.subf %broadcast_in_dim3A_249, %add3A_550 : vector<16xf32>
      %mul3A_564 = arith.mulf %select_n3A_562, %sub3A_563 : vector<16xf32>
      %add3A_565 = arith.addf %add3A_550, %mul3A_564 : vector<16xf32>
      %get3A_566 = arith.constant 848 : index
      %get3A_567 = tpu.vector_load %arg9[%get3A_566] {strides = array<i32>} : memref<1024xf32, #tpu.memory_space<vmem>>, vector<16xf32>,
      %get3A_568 = vector.shape_cast %get3A_567 : vector<16xf32> to vector<16xf32>
      %mul3A_569 = arith.mulf %mul3A_564, %get3A_568 : vector<16xf32>
      %add3A_570 = arith.addf %add3A_555, %mul3A_569 : vector<16xf32>
      %get3A_571 = arith.constant 864 : index
      %get3A_572 = tpu.vector_load %arg9[%get3A_571] {strides = array<i32>} : memref<1024xf32, #tpu.memory_space<vmem>>, vector<16xf32>,
      %get3A_573 = vector.shape_cast %get3A_572 : vector<16xf32> to vector<16xf32>
      %mul3A_574 = arith.mulf %mul3A_564, %get3A_573 : vector<16xf32>
      %add3A_575 = arith.addf %add3A_560, %mul3A_574 : vector<16xf32>
      %eq3A_576 = arith.cmpf oeq, %select_n3A_357, %min3A_365 : vector<16xf32>
      %select_n3A_577 = arith.select %eq3A_576, %broadcast_in_dim3A_249, %broadcast_in_dim3A_251 : vector<16xi1>, vector<16xf32>
      %sub3A_578 = arith.subf %broadcast_in_dim3A_249, %add3A_565 : vector<16xf32>
      %mul3A_579 = arith.mulf %select_n3A_577, %sub3A_578 : vector<16xf32>
      %add3A_580 = arith.addf %add3A_565, %mul3A_579 : vector<16xf32>
      %get3A_581 = arith.constant 912 : index
      %get3A_582 = tpu.vector_load %arg9[%get3A_581] {strides = array<i32>} : memref<1024xf32, #tpu.memory_space<vmem>>, vector<16xf32>,
      %get3A_583 = vector.shape_cast %get3A_582 : vector<16xf32> to vector<16xf32>
      %mul3A_584 = arith.mulf %mul3A_579, %get3A_583 : vector<16xf32>
      %add3A_585 = arith.addf %add3A_570, %mul3A_584 : vector<16xf32>
      %get3A_586 = arith.constant 928 : index
      %get3A_587 = tpu.vector_load %arg9[%get3A_586] {strides = array<i32>} : memref<1024xf32, #tpu.memory_space<vmem>>, vector<16xf32>,
      %get3A_588 = vector.shape_cast %get3A_587 : vector<16xf32> to vector<16xf32>
      %mul3A_589 = arith.mulf %mul3A_579, %get3A_588 : vector<16xf32>
      %add3A_590 = arith.addf %add3A_575, %mul3A_589 : vector<16xf32>
      %eq3A_591 = arith.cmpf oeq, %select_n3A_364, %min3A_365 : vector<16xf32>
      %select_n3A_592 = arith.select %eq3A_591, %broadcast_in_dim3A_249, %broadcast_in_dim3A_251 : vector<16xi1>, vector<16xf32>
      %sub3A_593 = arith.subf %broadcast_in_dim3A_249, %add3A_580 : vector<16xf32>
      %mul3A_594 = arith.mulf %select_n3A_592, %sub3A_593 : vector<16xf32>
      %add3A_595 = arith.addf %add3A_580, %mul3A_594 : vector<16xf32>
      %get3A_596 = arith.constant 976 : index
      %get3A_597 = tpu.vector_load %arg9[%get3A_596] {strides = array<i32>} : memref<1024xf32, #tpu.memory_space<vmem>>, vector<16xf32>,
      %get3A_598 = vector.shape_cast %get3A_597 : vector<16xf32> to vector<16xf32>
      %mul3A_599 = arith.mulf %mul3A_594, %get3A_598 : vector<16xf32>
      %add3A_600 = arith.addf %add3A_585, %mul3A_599 : vector<16xf32>
      %get3A_601 = arith.constant 992 : index
      %get3A_602 = tpu.vector_load %arg9[%get3A_601] {strides = array<i32>} : memref<1024xf32, #tpu.memory_space<vmem>>, vector<16xf32>,
      %get3A_603 = vector.shape_cast %get3A_602 : vector<16xf32> to vector<16xf32>
      %mul3A_604 = arith.mulf %mul3A_594, %get3A_603 : vector<16xf32>
      %add3A_605 = arith.addf %add3A_590, %mul3A_604 : vector<16xf32>
      %slice3A_606 = vector.extract_strided_slice %add3A_605 {offsets = [0], sizes = [1], strides = [1]} : vector<16xf32> to vector<1xf32>
      %squeeze3A_607 = vector.extract %slice3A_606[0] : f32 from vector<1xf32>
      %slice3A_608 = vector.extract_strided_slice %add3A_605 {offsets = [1], sizes = [1], strides = [1]} : vector<16xf32> to vector<1xf32>
      %squeeze3A_609 = vector.extract %slice3A_608[0] : f32 from vector<1xf32>
      %slice3A_610 = vector.extract_strided_slice %add3A_600 {offsets = [4], sizes = [1], strides = [1]} : vector<16xf32> to vector<1xf32>
      %squeeze3A_611 = vector.extract %slice3A_610[0] : f32 from vector<1xf32>
      %mul3A_612 = arith.constant 0.00446428591 : f32
      %mul3A_613 = arith.mulf %squeeze3A_611, %mul3A_612 : f32
      %add3A_614 = arith.addf %mul3A_613, %squeeze3A_607 : f32
      %slice3A_615 = vector.extract_strided_slice %add3A_600 {offsets = [5], sizes = [1], strides = [1]} : vector<16xf32> to vector<1xf32>
      %squeeze3A_616 = vector.extract %slice3A_615[0] : f32 from vector<1xf32>
      %mul3A_617 = arith.constant 0.00446428591 : f32
      %mul3A_618 = arith.mulf %squeeze3A_616, %mul3A_617 : f32
      %add3A_619 = arith.addf %mul3A_618, %squeeze3A_609 : f32
      %slice3A_620 = vector.extract_strided_slice %add3A_600 {offsets = [6], sizes = [1], strides = [1]} : vector<16xf32> to vector<1xf32>
      %squeeze3A_621 = vector.extract %slice3A_620[0] : f32 from vector<1xf32>
      %mul3A_622 = arith.constant 0.00446428591 : f32
      %mul3A_623 = arith.mulf %squeeze3A_621, %mul3A_622 : f32
      %add3A_624 = arith.addf %mul3A_623, %squeeze3A_607 : f32
      %slice3A_625 = vector.extract_strided_slice %add3A_600 {offsets = [7], sizes = [1], strides = [1]} : vector<16xf32> to vector<1xf32>
      %squeeze3A_626 = vector.extract %slice3A_625[0] : f32 from vector<1xf32>
      %mul3A_627 = arith.constant 0.00446428591 : f32
      %mul3A_628 = arith.mulf %squeeze3A_626, %mul3A_627 : f32
      %add3A_629 = arith.addf %mul3A_628, %squeeze3A_609 : f32
      %broadcast_in_dim3A_630 = vector.broadcast %max3A_246 : f32 to vector<16xf32>
      %neg3A = arith.constant 0.000000e+00 : f32
      %neg3A_631 = vector.broadcast %neg3A : f32 to vector<16xf32>
      %neg3A_632 = arith.subf %neg3A_631, %broadcast_in_dim3A_630 : vector<16xf32>
      %exp3A = math.exp %neg3A_632 : vector<16xf32>
      %add3A_633 = arith.constant 1.000000e+00 : f32
      %add3A_634 = vector.broadcast %add3A_633 : f32 to vector<16xf32>
      %add3A_635 = arith.addf %add3A_634, %exp3A : vector<16xf32>
      %div3A = arith.constant 1.000000e+00 : f32
      %div3A_636 = vector.broadcast %div3A : f32 to vector<16xf32>
      %div3A_637 = arith.divf %div3A_636, %add3A_635 : vector<16xf32>
      %eq3A_638 = arith.constant 1 : i32
      %eq3A_639 = vector.broadcast %eq3A_638 : i32 to vector<16xi32>
      %eq3A_640 = arith.cmpi eq, %iota3A, %eq3A_639 : vector<16xi32>
      %broadcast_in_dim3A_641 = vector.broadcast %add3A_614 : f32 to vector<16xf32>
      %select_n3A_642 = arith.select %eq3A_640, %broadcast_in_dim3A_641, %div3A_637 : vector<16xi1>, vector<16xf32>
      %eq3A_643 = arith.constant 2 : i32
      %eq3A_644 = vector.broadcast %eq3A_643 : i32 to vector<16xi32>
      %eq3A_645 = arith.cmpi eq, %iota3A, %eq3A_644 : vector<16xi32>
      %broadcast_in_dim3A_646 = vector.broadcast %add3A_619 : f32 to vector<16xf32>
      %select_n3A_647 = arith.select %eq3A_645, %broadcast_in_dim3A_646, %select_n3A_642 : vector<16xi1>, vector<16xf32>
      %eq3A_648 = arith.constant 3 : i32
      %eq3A_649 = vector.broadcast %eq3A_648 : i32 to vector<16xi32>
      %eq3A_650 = arith.cmpi eq, %iota3A, %eq3A_649 : vector<16xi32>
      %broadcast_in_dim3A_651 = vector.broadcast %add3A_624 : f32 to vector<16xf32>
      %select_n3A_652 = arith.select %eq3A_650, %broadcast_in_dim3A_651, %select_n3A_647 : vector<16xi1>, vector<16xf32>
      %eq3A_653 = arith.constant 4 : i32
      %eq3A_654 = vector.broadcast %eq3A_653 : i32 to vector<16xi32>
      %eq3A_655 = arith.cmpi eq, %iota3A, %eq3A_654 : vector<16xi32>
      %broadcast_in_dim3A_656 = vector.broadcast %add3A_629 : f32 to vector<16xf32>
      %select_n3A_657 = arith.select %eq3A_655, %broadcast_in_dim3A_656, %select_n3A_652 : vector<16xi1>, vector<16xf32>
      %swap3A_658 = arith.constant 0 : index
      %swap3A_659 = tpu.vector_load %arg12[%swap3A_658] {strides = array<i32>} : memref<16xf32, #tpu.memory_space<vmem>>, vector<16xf32>,
      %swap3A_660 = vector.shape_cast %swap3A_659 : vector<16xf32> to vector<16xf32>
      %swap3A_661 = vector.shape_cast %select_n3A_657 : vector<16xf32> to vector<16xf32>
      tpu.vector_store %arg12[%swap3A_658], %swap3A_661 {strides = array<i32>} : memref<16xf32, #tpu.memory_space<vmem>>, vector<16xf32>,
      "tpu.region"() ({
        %run_scoped3A = tpu.sem_alloc : memref<!tpu.dma_semaphore, #tpu.memory_space<semaphore_mem>>
        tpu.enqueue_dma source(%arg12 : memref<16xf32, #tpu.memory_space<vmem>>) target(%arg5 : memref<16xf32, #tpu.memory_space<hbm>>) target_semaphore(%run_scoped3A : memref<!tpu.dma_semaphore, #tpu.memory_space<semaphore_mem>>)
        tpu.wait_dma2 semaphore(%run_scoped3A : memref<!tpu.dma_semaphore, #tpu.memory_space<semaphore_mem>>) src(%arg12 : memref<16xf32, #tpu.memory_space<vmem>>) dst(%arg5 : memref<16xf32, #tpu.memory_space<hbm>>)
        tpu.yield
      }) : () -> ()
    } else {
    }
    return
  }
}

</mosaic_0001>

<sc_bundles>
// kernel: kernel.3.cloned.1.call-start
scs
__scs_entry_jumppad:
0x0: {  	(pc) =	sbr.rel $0x88, $3  }
0x1: {  	(tag) =	ssettag $0x0;
	lr =	simm.s32 $0x1  }
0x2: {  	[smem:$0x3F9E] =	sst lr;
	_ =	strace $0xD0000000  }
0x3: {  	_ = 	snop  }
0x4: {  	_ = 	snop  }
0x5: {  	_ = 	snop  }
0x6: {  	_ = 	snop  }
0x7: {  	_ = 	snop  }
__scs_overlays_trampoline_lowered:
0x8: {  	[smem:$0x3FAD] =	sst s0  }
0x9: {  	[smem:$0x3FAE] =	sst s1  }
0xa: {  	[smem:$0x3FAF] =	sst s2  }
0xb: {  	[smem:$0x3FB0] =	sst s3  }
0xc: {  	[smem:$0x3FB1] =	sst s4  }
0xd: {  	[smem:$0x3FB2] =	sst s5  }
0xe: {  	[smem:$0x3FB3] =	sst s6  }
0xf: {  	[smem:$0x3FB4] =	sst s7  }
0x10: {  	[smem:$0x3FB5] =	sst s8  }
0x11: {  	[smem:$0x3FB6] =	sst s9;
	s0 =	simm.s32 @!p0 $0x0  }
0x12: {  	s1 =	sld [smem:$0x3F9C];
	s0 =	simm.s32 @p0 $0x1  }
0x13: {  	[smem:$0x3FB7] =	sst s0;
	s0 =	simm.s32 @!p1 $0x0  }
0x14: {  	s2 =	sld [smem:$0x3F9B];
	s0 =	simm.s32 @p1 $0x1  }
0x15: {  	[smem:$0x3FB8] =	sst s0;
	s0 =	simm.s32 @!p2 $0x0  }
0x16: {  	s3 =	sld [smem:$0x3FDB];
	s0 =	simm.s32 @p2 $0x1  }
0x17: {  	s4 =	simm.s32 $0x1BF5;
	[smem:$0x3FBA] =	sst s0  }
0x18: {  	s0 =	sld [smem:$0x3F9D];
	_ =	swait.ge [sflag:s4], $0x0  }
0x19: {  	s7 =	sld [smem:$0x3F9E]  }
0x1a: {  	s8 =	sadd.s32 $0xFFFFE003, lr  }
0x1b: {  	s9 =	sadd.s32 $0xFFFFFEF7, lr;
	s5 =	simm.s32 $0xFFFFFFFF;
	p2 =	slt.u32 s8, $0xFFFFF086  }
0x1c: {  	p1 =	slt.u32 s9, $0xF7A;
	s5 =	simm.s32 @!p2 $0x0  }
0x1d: {  	s5 =	simm.s32 @p1 $0x1;
	p0 =	seq.s32 s7, s2  }
0x1e: {  	s7 =	smul.u32 @!p0 $0xF7A, s2;
	p2 =	seq.s32 @!p0 s5, $0x0  }
0x1f: {  	s9 =	smul.u32 $0xF7A, s1;
	s8 =	simm.s32 @!p0 $0x1BF5;
	p2 =	por !p2, p0  }
0x20: {  	[sflag:s8] =	ssyncset.s32 @!p0 $0xFFFFF086;
	s6 =	sadd.s32 @!p0 s3, s7;
	s7 =	simm.s32 @!p0 $0x108  }
0x21: {  	s3 =	sadd.s32 s3, s9;
	s6 =	sadd.s32 @!p0 $0x88, s6;
	s7 =	simm.s32 @p2 $0x1082  }
0x22: {  	[simem:s7], [sflag:s8] =	dma.local @!p0 [hbm:s6], $0xF7A  }
0x23: {  	s9 =	sor.u32 $0xD0000000, s2;
	s6 =	simm.s32 $0x108;
	_ =	swait.ge @!p0 [sflag:s8], $0x0  }
0x24: {  	s3 =	sadd.s32 $0x88, s3;
	s6 =	simm.s32 @!p1 $0x1082;
	[sflag:s4] =	ssyncset.s32 $0xFFFFF086  }
0x25: {  	[simem:s6], [sflag:s4] =	dma.local [hbm:s3], $0xF7A  }
0x26: {  	[smem:$0x3F9E] =	sst s1;
	(tag) =	ssettag s2;
	_ =	strace s9  }
0x27: {  	s1 =	sld [smem:$0x3FAE]  }
0x28: {  	s2 =	sld [smem:$0x3FAF]  }
0x29: {  	s4 =	sld [smem:$0x3FB1]  }
0x2a: {  	p0 =	seq.s32 s5, $0x0;
	s5 =	sld [smem:$0x3FB2]  }
0x2b: {  	s6 =	sld [smem:$0x3FB3]  }
0x2c: {  	s7 =	sld [smem:$0x3FB4]  }
0x2d: {  	s3 =	simm.s32 $0x108;
	s8 =	sld [smem:$0x3FB5]  }
0x2e: {  	s3 =	simm.s32 @!p0 $0x1082;
	s9 =	sld [smem:$0x3FB6]  }
0x2f: {  	lr =	sadd.s32 s0, s3;
	s0 =	sld [smem:$0x3FAD]  }
0x30: {  	s3 =	sld [smem:$0x3FB0]  }
0x31: {  	[smem:$0x3FB9] =	sst s10  }
0x32: {  	s10 =	sld [smem:$0x3FB7];
	_ =	sdelay $0x3  }
0x33: {  	p0 =	seq.s32 s10, $0x1;
	s10 =	sld [smem:$0x3FB9];
	_ =	sdelay $0x3  }
0x34: {  	[smem:$0x3FB9] =	sst s10  }
0x35: {  	s10 =	sld [smem:$0x3FB8];
	_ =	sdelay $0x3  }
0x36: {  	p1 =	seq.s32 s10, $0x1;
	s10 =	sld [smem:$0x3FB9];
	_ =	sdelay $0x3  }
0x37: {  	[smem:$0x3FB9] =	sst s10  }
0x38: {  	s10 =	sld [smem:$0x3FBA]  }
0x39: {  	_ = 	snop;
	(pc) =	sbr.ind lr, $3  }
0x3a: {  	_ = 	snop  }
0x3b: {  	_ = 	snop  }
0x3c: {  	p2 =	seq.s32 s10, $0x1;
	s10 =	sld [smem:$0x3FB9]  }
0x3d: {  	_ =	shalt  }
0x3e: {  	_ =	shalt  }
0x3f: {  	_ =	shalt  }
0x40: {  	_ =	shalt  }
0x41: {  	_ =	shalt  }
0x42: {  	_ =	shalt  }
0x43: {  	_ =	shalt  }
0x44: {  	_ =	shalt  }
0x45: {  	_ =	shalt  }
0x46: {  	_ =	shalt  }
0x47: {  	_ =	shalt  }
0x48: {  	_ =	shalt  }
0x49: {  	_ =	shalt  }
0x4a: {  	_ =	shalt  }
0x4b: {  	_ =	shalt  }
0x4c: {  	_ =	shalt  }
0x4d: {  	_ =	shalt  }
0x4e: {  	_ =	shalt  }
0x4f: {  	_ =	shalt  }
0x50: {  	_ =	shalt  }
0x51: {  	_ =	shalt  }
0x52: {  	_ =	shalt  }
0x53: {  	_ =	shalt  }
0x54: {  	_ =	shalt  }
0x55: {  	_ =	shalt  }
0x56: {  	_ =	shalt  }
0x57: {  	_ =	shalt  }
0x58: {  	_ =	shalt  }
0x59: {  	_ =	shalt  }
0x5a: {  	_ =	shalt  }
0x5b: {  	_ =	shalt  }
0x5c: {  	_ =	shalt  }
0x5d: {  	_ =	shalt  }
0x5e: {  	_ =	shalt  }
0x5f: {  	_ =	shalt  }
0x60: {  	_ =	shalt  }
0x61: {  	_ =	shalt  }
0x62: {  	_ =	shalt  }
0x63: {  	_ =	shalt  }
0x64: {  	_ =	shalt  }
0x65: {  	_ =	shalt  }
0x66: {  	_ =	shalt  }
0x67: {  	_ =	shalt  }
0x68: {  	_ =	shalt  }
0x69: {  	_ =	shalt  }
0x6a: {  	_ =	shalt  }
0x6b: {  	_ =	shalt  }
0x6c: {  	_ =	shalt  }
0x6d: {  	_ =	shalt  }
0x6e: {  	_ =	shalt  }
0x6f: {  	_ =	shalt  }
0x70: {  	_ =	shalt  }
0x71: {  	_ =	shalt  }
0x72: {  	_ =	shalt  }
0x73: {  	_ =	shalt  }
0x74: {  	_ =	shalt  }
0x75: {  	_ =	shalt  }
0x76: {  	_ =	shalt  }
0x77: {  	_ =	shalt  }
0x78: {  	_ =	shalt  }
0x79: {  	_ =	shalt  }
0x7a: {  	_ =	shalt  }
0x7b: {  	_ =	shalt  }
0x7c: {  	_ =	shalt  }
0x7d: {  	_ =	shalt  }
0x7e: {  	_ =	shalt  }
0x7f: {  	_ =	shalt  }
0x80: {  	_ =	shalt  }
0x81: {  	_ =	shalt  }
0x82: {  	_ =	shalt  }
0x83: {  	_ =	shalt  }
0x84: {  	_ =	shalt  }
0x85: {  	_ =	shalt  }
0x86: {  	_ =	shalt  }
0x87: {  	_ =	shalt  }
.Lfunc_end0:
.L_simem_size_0:
called_computation_lowered:
.L_overlay_start_0:
0x88: {  	s0 =	sld [smem:$0x3FD9]  }
0x89: {  	s1 =	sld [smem:$0x3FFE];
	_ =	sdelay $0x3  }
0x8a: {  	s0 =	sadd.s32 s1, s0  }
0x8b: {  	[smem:$0x3FC5] =	sst s0  }
0x8c: {  	_ = 	snop  }
0x8d: {  	s0 =	sld [smem:$0x3FD0];
	(tm) =	ssettm $0x1  }
0x8e: {  	s16 =	sld [smem:$0x3FFB];
	_ =	sdelay $0x3  }
0x8f: {  	_ =	strace s16  }
0x90: {  	s1 =	sld [smem:$0x3FFC];
	_ =	sdelay $0x3  }
0x91: {  	_ =	strace s1  }
0x92: {  	s1 =	sld [smem:$0x3FFD];
	_ =	sdelay $0x3  }
0x93: {  	_ =	strace s1  }
0x94: {  	_ =	strace $0x8FFFFFFF  }
0x95: {  	s17 =	sld [smem:$0x3FDB];
	_ =	sdelay $0x1  }
0x96: {  	s2 =	simm.s32 $_scs_section_size  }
0x97: {  	s3 =	simm.s32 $_size__tile_overlayer_lowered;
	s4 =	simm.s32 $_tile_overlayer_lowered  }
0x98: {  	s20 =	simm.s32 $0x1BFF;
	s19 =	sshll.u32 s4, $0x1;
	s1 =	sadd.s32 s2, s17  }
0x99: {  	s5 =	simm.s32 $0x0;
	s18 =	sshll.u32 s3, $0x1;
	s3 =	sadd.s32 s19, s1  }
0x9a: {  	[timem:s5], [sflag:s20] =	dma.local [hbm:s3], s18  }
0x9b: {  	_ =	swait.ge [sflag:s20], s18  }
0x9c: {  	s2 =	ssub.s32 $0x0, s18;
	[sflag:s20] =	ssyncset.done $0x0  }
0x9d: {  	[sflag:s20] =	ssyncadd.s32 s2;
	_ =	sdelay $0x1  }
0x9e: {  	s21 =	simm.s32 $0x1B8B  }
0x9f: {  	_ =	swait.ge [sflag:s21], $0x1  }
0xa0: {  	[sflag:s21] =	ssyncset.done $0x0  }
0xa1: {  	s23 =	simm.s32 $0x1B8E;
	s22 =	sld [smem:$0x3FFE];
	[sflag:s21] =	ssyncadd.s32 $0xFFFFFFFF  }
0xa2: {  	s24 =	simm.s32 $execute0_lowered;
	[smem:$0x3FD2] =	sst s23  }
0xa3: {  	s3 =	sshll.u32 s24, $0x1;
	_ =	strace $0x80000046;
	[dreg:$0x1] =	wrdreg $0xFFFFFFFF  }
0xa4: {  	s25 =	simm.s32 $_size_execute0_lowered;
	s1 =	sadd.s32 s1, s3;
	[dreg:$0x0] =	wrdreg $0x0  }
0xa5: {  	s3 =	sshll.u32 s25, $0x1;
	[dreg:$0x2] =	wrdreg s1  }
0xa6: {  	[dreg:$0x3] =	wrdreg s3  }
0xa7: {  	[dreg:$0x4] =	wrdreg $0xC0  }
0xa8: {  	_ =	task [dreg:s5], $0x5FFFF  }
0xa9: {  	[dreg:$0x1] =	wrdreg $0xFFFFFFFF  }
0xaa: {  	[dreg:$0x0] =	wrdreg $0x60  }
0xab: {  	[dreg:$0x2] =	wrdreg s22  }
0xac: {  	[dreg:$0x3] =	wrdreg s0  }
0xad: {  	[dreg:$0x4] =	wrdreg $0x5800  }
0xae: {  	[dreg:$0x5] =	wrdreg $0x9  }
0xaf: {  	_ =	task.clear_ibuf [dreg:s5], $0x6FFFF;
	_ =	strace $0x90000046  }
0xb0: {  	s26 =	simm.s32 $0x9;
	_ =	strace $0x80000048  }
0xb1: {  	_ =	swait.ge [sflag:s26], $0x1  }
0xb2: {  	[sflag:s26] =	ssyncadd.s32 $0xFFFFFFFF  }
0xb3: {  	_ =	strace $0x90000048  }
0xb4: {  	_ =	sfence  }
0xb5: {  	s28 =	sld [smem:$0x0];
	_ =	sdelay $0x1  }
0xb6: {  	s29 =	srdreg.scid  }
0xb7: {  	s30 =	sshll.u32 s29, $0xD;
	s31 =	sshrl.u32 s29, $0x2  }
0xb8: {  	s2 =	sand.u32 $0x4000, s30;
	s1 =	sand.u32 $0x1, s29;
	s0 =	sadd.s32 s31, s28  }
0xb9: {  	s1 =	sor.u32 s2, s1;
	s0 =	sshll.u32 s0, $0x11  }
0xba: {  	s0 =	sor.u32 s0, s1  }
0xbb: {  	s0 =	sadd.s32 $0x8F2B, s0  }
0xbc: {  	[sflag:s0] =	ssyncadd.remote.s32 $0x1  }
0xbd: {  	_ =	sfence.sel $0xFFFF  }
0xbe: {  	[dreg:$0x0] =	wrdreg $0xFFFFFFFF;
	(pc) =	sbr.abs _section_cstart, $3  }
0xbf: {  	[dreg:$0x1] =	wrdreg $0xFFFFFFFF  }
0xc0: {  	_ =	task.clear_ibuf [dreg:s5], $0x2FFFF;
	_ =	strace $0x9FFFFFFF  }
0xc1: {  	(tm) =	ssettm $0x7FFFFFFF  }
tec
execute0_lowered:
.L_overlay_start_1:
0x0: {  	(tag) =	ssettag $0x1  }
0x1: {  	s6 =	rddreg [dreg:$0x0];
	s5 =	stileid.u32  }
0x2: {  	s1 =	rddreg [dreg:$0x1];
	s3 =	smul.u32 $0x4E0, s5  }
0x3: {  	s4 =	rddreg [dreg:$0x2]  }
0x4: {  	s0 =	rddreg [dreg:$0x3];
	s2 =	simm.s32 $0x0;
	s7 =	sshrl.u32 s3, $0x3  }
0x5: {  	[smem:$0x7FF] =	sst s2;
	s7 =	sadd.s32 s7, s6  }
0x6: {  	s31 =	simm.s32 $0x1;
	_ =	strace $0x80000047;
	s7 =	sadd.s32 $0x9C800, s7  }
0x7: {  	[tilespmem:s2], [sflag:$0x1] =	stream.linear.gather [hbm4b:s7+s2], $0x500, $0x38;
	[tilespmem:$0x1240] =	vst v63  }
0x8: {  	_ =	swait.ge [sflag:s31], $0x500  }
0x9: {  	[sflag:s31] =	ssyncset.done $0x0  }
0xa: {  	s8 =	simm.s32 $0x0;
	[sflag:s31] =	ssyncadd.s32 $0xFFFFFB00  }
0xb: {  	v4 =	vld [tilespmem:s8+$0x0];
	_ =	sdelay $0x1  }
0xc: {  	v2 =	vlaneseq.u32  }
0xd: {  	v1 =	vor.u32 s3, v2  }
0xe: {  	v3 =	vimm.f32 $-Inf;
	v0 =	vimm.f32 $0.0e+00;
	v1 =	vcvt.s32.f32 v1;
	s2 =	sadd.s32 $0x400, s6;
	s6 =	sadd.s32 $0x4E600, s6;
	s7 =	simm.s32 $0x40  }
.LBB2_1:
0xf: {  	s8 =	sshra.s32 s7, $0x2;
	p0 =	sne.s32 s7, $0x13C0;
	s7 =	sadd.s32 $0x40, s7;
	vm0 =	vgt.f32 v4, v3  }
.Ltmp0:
0x10: {  	v3 =	vsel vm0, v4, v3;
	v4 =	vld [tilespmem:s8+$0x0];
	v0 =	vsel vm0, v1, v0;
	(pc) =	sbr.rel @p0 .LBB2_1-.Ltmp0, $4  }
0x11: {  	_ = 	snop  }
0x12: {  	s3 =	sadd.s32 $0x10, s3  }
0x13: {  	v1 =	vor.u32 s3, v2  }
0x14: {  	v1 =	vcvt.s32.f32 v1  }
0x15: {  	vm0 =	vgt.f32 v4, v3  }
0x16: {  	v2 =	vsel vm0, v4, v3  }
0x17: {  	(v2sf) =	vpush v2, $0x0  }
0x18: {  	(v2sf) =	vpush v2, $0x1  }
0x19: {  	(v2sf) =	vpush v2, $0x2  }
0x1a: {  	(v2sf) =	vpush v2, $0x3  }
0x1b: {  	(v2sf) =	vpush v2, $0x4  }
0x1c: {  	(v2sf) =	vpush v2, $0x5  }
0x1d: {  	(v2sf) =	vpush v2, $0x6  }
0x1e: {  	(v2sf) =	vpush v2, $0x7  }
0x1f: {  	(v2sf) =	vpush v2, $0x8  }
0x20: {  	(v2sf) =	vpush v2, $0x9  }
0x21: {  	(v2sf) =	vpush v2, $0xA  }
0x22: {  	(v2sf) =	vpush v2, $0xB  }
0x23: {  	(v2sf) =	vpush v2, $0xC  }
0x24: {  	(v2sf) =	vpush v2, $0xD  }
0x25: {  	(v2sf) =	vpush v2, $0xE  }
0x26: {  	s3 =	spop (v2sf);
	(v2sf) =	vpush v2, $0xF  }
0x27: {  	s7 =	spop (v2sf)  }
0x28: {  	s3 =	smax.f32 s3, s7;
	s16 =	spop (v2sf)  }
0x29: {  	s3 =	smax.f32 s3, s16;
	s17 =	spop (v2sf)  }
0x2a: {  	s3 =	smax.f32 s3, s17;
	s18 =	spop (v2sf)  }
0x2b: {  	s3 =	smax.f32 s3, s18;
	s19 =	spop (v2sf)  }
0x2c: {  	s3 =	smax.f32 s3, s19;
	s20 =	spop (v2sf)  }
0x2d: {  	s3 =	smax.f32 s3, s20;
	s21 =	spop (v2sf)  }
0x2e: {  	s3 =	smax.f32 s3, s21;
	s22 =	spop (v2sf)  }
0x2f: {  	s3 =	smax.f32 s3, s22;
	s23 =	spop (v2sf)  }
0x30: {  	s3 =	smax.f32 s3, s23;
	s24 =	spop (v2sf)  }
0x31: {  	s3 =	smax.f32 s3, s24;
	s25 =	spop (v2sf)  }
0x32: {  	s3 =	smax.f32 s3, s25;
	s26 =	spop (v2sf)  }
0x33: {  	s3 =	smax.f32 s3, s26;
	s28 =	spop (v2sf)  }
0x34: {  	s3 =	smax.f32 s3, s28;
	s29 =	spop (v2sf)  }
0x35: {  	s3 =	smax.f32 s3, s29;
	s30 =	spop (v2sf)  }
0x36: {  	s7 =	smax.f32 s3, s30  }
0x37: {  	v0 =	vsel vm0, v1, v0;
	vm14 =	veq.f32 v2, s7  }
0x38: {  	v0 =	vnsel vm14, $0x7F61B1E6, v0  }
0x39: {  	(v2sf) =	vpush v0, $0x0  }
0x3a: {  	(v2sf) =	vpush v0, $0x1  }
0x3b: {  	(v2sf) =	vpush v0, $0x2  }
0x3c: {  	(v2sf) =	vpush v0, $0x3  }
0x3d: {  	(v2sf) =	vpush v0, $0x4  }
0x3e: {  	(v2sf) =	vpush v0, $0x5  }
0x3f: {  	(v2sf) =	vpush v0, $0x6  }
0x40: {  	(v2sf) =	vpush v0, $0x7  }
0x41: {  	(v2sf) =	vpush v0, $0x8  }
0x42: {  	(v2sf) =	vpush v0, $0x9  }
0x43: {  	(v2sf) =	vpush v0, $0xA  }
0x44: {  	(v2sf) =	vpush v0, $0xB  }
0x45: {  	(v2sf) =	vpush v0, $0xC  }
0x46: {  	(v2sf) =	vpush v0, $0xD  }
0x47: {  	(v2sf) =	vpush v0, $0xE  }
0x48: {  	s31 =	spop (v2sf);
	(v2sf) =	vpush v0, $0xF  }
0x49: {  	s8 =	spop (v2sf)  }
0x4a: {  	s9 =	spop (v2sf);
	s3 =	smin.f32 s31, s8  }
0x4b: {  	s10 =	spop (v2sf);
	s3 =	smin.f32 s3, s9  }
0x4c: {  	s11 =	spop (v2sf);
	s3 =	smin.f32 s3, s10  }
0x4d: {  	s12 =	spop (v2sf);
	s3 =	smin.f32 s3, s11  }
0x4e: {  	s13 =	spop (v2sf);
	s3 =	smin.f32 s3, s12  }
0x4f: {  	s14 =	spop (v2sf);
	s3 =	smin.f32 s3, s13  }
0x50: {  	s15 =	spop (v2sf);
	s3 =	smin.f32 s3, s14  }
0x51: {  	s16 =	spop (v2sf);
	s3 =	smin.f32 s3, s15  }
0x52: {  	s17 =	spop (v2sf);
	s3 =	smin.f32 s3, s16  }
0x53: {  	s18 =	spop (v2sf);
	s3 =	smin.f32 s3, s17  }
0x54: {  	s19 =	spop (v2sf);
	s3 =	smin.f32 s3, s18  }
0x55: {  	s20 =	spop (v2sf);
	s3 =	smin.f32 s3, s19  }
0x56: {  	s21 =	spop (v2sf);
	s3 =	smin.f32 s3, s20  }
0x57: {  	s3 =	smin.f32 s3, s21;
	s22 =	spop (v2sf)  }
0x58: {  	s8 =	smin.f32 s3, s22  }
0x59: {  	s23 =	scvt.f32.s32 s8;
	_ =	sdelay $0x1  }
0x5a: {  	s24 =	sshll.u32 s23, $0x4  }
0x5b: {  	s10 =	sand.u32 $0xFFFFF80, s24  }
0x5c: {  	s11 =	simm.s32 $0x9C0;
	s3 =	sadd.s32 s2, s10;
	s2 =	simm.s32 $0x0  }
0x5d: {  	[tilespmem:s11], [sflag:$0x1] =	stream.linear.gather [hbm4b:s3+s2], $0x400, $0x38;
	[tilespmem:$0x1240] =	vst v63  }
0x5e: {  	s3 =	simm.s32 $0x1  }
0x5f: {  	_ =	swait.ge [sflag:s3], $0x400  }
0x60: {  	[sflag:s3] =	ssyncset.done $0x0  }
0x61: {  	s25 =	simm.s32 $0xDC0;
	s6 =	sadd.s32 s6, s10;
	[sflag:s3] =	ssyncadd.s32 $0xFFFFFC00  }
0x62: {  	[tilespmem:s25], [sflag:$0x1] =	stream.linear.gather [hbm4b:s6+s2], $0x400, $0x38;
	[tilespmem:$0x1240] =	vst v63  }
0x63: {  	_ =	swait.ge [sflag:s3], $0x400  }
0x64: {  	vm15 =	vmmov $0x1;
	v63 =	vmov s8;
	[sflag:s3] =	ssyncset.done $0x0  }
0x65: {  	s26 =	sshll.u32 s5, $0x6;
	v0 =	vsel vm15, s7, v63;
	[sflag:s3] =	ssyncadd.s32 $0xFFFFFC00  }
0x66: {  	s28 =	simm.s32 $0x500;
	s6 =	sadd.s32 s26, s4;
	[tilespmem:$0x500] =	vst v0  }
0x67: {  	[spmem:s6] =	stream.linear.scatter [tilespmem:s28], [sflag:$0x1], $0x10, $0x38;
	[tilespmem:$0x1240] =	vst v63  }
0x68: {  	s29 =	sshll.u32 s23, $0x7;
	_ =	swait.ge [sflag:s3], $0x10  }
0x69: {  	s7 =	sand.u32 $0x380, s29;
	[sflag:s3] =	ssyncset.done $0x0  }
0x6a: {  	s31 =	sadd.s32 $0x9C0, s7;
	s30 =	sadd.s32 $0x10, s6;
	[sflag:s3] =	ssyncadd.s32 $0xFFFFFFF0  }
0x6b: {  	[spmem:s30] =	stream.linear.scatter [tilespmem:s31], [sflag:$0x1], $0xC, $0x38;
	[tilespmem:$0x1240] =	vst v63  }
0x6c: {  	_ =	swait.ge [sflag:s3], $0xC  }
0x6d: {  	[sflag:s3] =	ssyncset.done $0x0  }
0x6e: {  	s7 =	sadd.s32 $0xDC0, s7;
	s6 =	sadd.s32 $0x20, s6;
	[sflag:s3] =	ssyncadd.s32 $0xFFFFFFF4  }
0x6f: {  	[spmem:s6] =	stream.linear.scatter [tilespmem:s7], [sflag:$0x1], $0x2, $0x38;
	[tilespmem:$0x1240] =	vst v63  }
0x70: {  	_ =	swait.ge [sflag:s3], $0x2  }
0x71: {  	[sflag:s3] =	ssyncset.done $0x0  }
0x72: {  	[sflag:s3] =	ssyncadd.s32 $0xFFFFFFFE  }
0x73: {  	p0 =	sne.s32 s5, $0x0;
	[bflag:$0x0] =	sbarrier.arrive $0xFFFF  }
0x74: {  	_ =	sfence.sel @p0 $0x180000  }
0x75: {  	[bflag:$0x0] =	sbarrier.arrive @p0 $0xFFFF  }
0x76: {  	_ =	strace @p0 $0x90000047  }
0x77: {  	[bflag:$0x2] =	sbarrier.arrive @p0 $0xFFFF  }
0x78: {  	_ =	shalt @p0  }
.LBB2_3:
0x79: {  	s5 =	simm.s32 $0x5C0  }
0x7a: {  	[tilespmem:s5], [sflag:$0x1] =	stream.linear.gather [spmem:s4], $0x400, $0x38;
	[tilespmem:$0x1240] =	vst v63  }
0x7b: {  	_ =	swait.ge [sflag:s3], $0x400  }
0x7c: {  	[sflag:s3] =	ssyncset.done $0x0  }
0x7d: {  	[sflag:s3] =	ssyncadd.s32 $0xFFFFFC00  }
0x7e: {  	v5 =	vld [tilespmem:$0x5C0]  }
0x7f: {  	v6 =	vld [tilespmem:$0x600]  }
0x80: {  	v7 =	vld [tilespmem:$0x640]  }
0x81: {  	v8 =	vld [tilespmem:$0x680]  }
0x82: {  	v9 =	vld [tilespmem:$0x6C0]  }
0x83: {  	v10 =	vld [tilespmem:$0x700];
	(v2sf) =	vpush v5, $0x0  }
0x84: {  	v11 =	vld [tilespmem:$0x740];
	(v2sf) =	vpush v6, $0x0  }
0x85: {  	v12 =	vld [tilespmem:$0x780];
	(v2sf) =	vpush v7, $0x0  }
0x86: {  	v13 =	vld [tilespmem:$0x7C0];
	(v2sf) =	vpush v8, $0x0  }
0x87: {  	v14 =	vld [tilespmem:$0x800];
	(v2sf) =	vpush v9, $0x0  }
0x88: {  	v15 =	vld [tilespmem:$0x840];
	(v2sf) =	vpush v10, $0x0  }
0x89: {  	v4 =	vld [tilespmem:$0x880];
	(v2sf) =	vpush v11, $0x0  }
0x8a: {  	v3 =	vld [tilespmem:$0x8C0];
	(v2sf) =	vpush v12, $0x0  }
0x8b: {  	v2 =	vld [tilespmem:$0x900];
	(v2sf) =	vpush v13, $0x0  }
0x8c: {  	v1 =	vld [tilespmem:$0x940];
	(v2sf) =	vpush v14, $0x0  }
0x8d: {  	v0 =	vld [tilespmem:$0x980];
	(v2sf) =	vpush v15, $0x0  }
0x8e: {  	(v2sf) =	vpush v4, $0x0  }
0x8f: {  	(v2sf) =	vpush v3, $0x0  }
0x90: {  	(v2sf) =	vpush v2, $0x0  }
0x91: {  	(v2sf) =	vpush v1, $0x0  }
0x92: {  	s12 =	spop (v2sf);
	(v2sf) =	vpush v0, $0x0  }
0x93: {  	s13 =	spop (v2sf)  }
0x94: {  	s6 =	spop (v2sf);
	s4 =	smax.f32 s12, s13  }
0x95: {  	s14 =	spop (v2sf);
	s4 =	smax.f32 s4, s6  }
0x96: {  	s15 =	spop (v2sf);
	s4 =	smax.f32 s4, s14  }
0x97: {  	s16 =	spop (v2sf);
	s4 =	smax.f32 s4, s15  }
0x98: {  	s17 =	spop (v2sf);
	s4 =	smax.f32 s4, s16  }
0x99: {  	s18 =	spop (v2sf);
	s4 =	smax.f32 s4, s17  }
0x9a: {  	s19 =	spop (v2sf);
	s4 =	smax.f32 s4, s18  }
0x9b: {  	s20 =	spop (v2sf);
	s4 =	smax.f32 s4, s19  }
0x9c: {  	s21 =	spop (v2sf);
	s4 =	smax.f32 s4, s20  }
0x9d: {  	s22 =	spop (v2sf);
	s4 =	smax.f32 s4, s21  }
0x9e: {  	s23 =	spop (v2sf);
	s4 =	smax.f32 s4, s22  }
0x9f: {  	s24 =	spop (v2sf);
	s4 =	smax.f32 s4, s23  }
0xa0: {  	s25 =	spop (v2sf);
	s4 =	smax.f32 s4, s24  }
0xa1: {  	s26 =	spop (v2sf);
	s4 =	smax.f32 s4, s25  }
0xa2: {  	s4 =	smax.f32 s4, s26  }
0xa3: {  	v16 =	vimm.s32 $0x0;
	vm0 =	veq.f32 v5, s4  }
0xa4: {  	vm13 =	veq.f32 v6, s4;
	v5 =	vbroadcast v5, $0x1;
	vm15 =	veq.f32 v7, s4  }
0xa5: {  	vm4 =	veq.f32 v8, s4;
	v6 =	vbroadcast v6, $0x1;
	v7 =	vbroadcast v7, $0x1  }
0xa6: {  	vm5 =	veq.f32 v9, s4;
	v8 =	vbroadcast v8, $0x1;
	v9 =	vbroadcast v9, $0x1  }
0xa7: {  	vm10 =	veq.f32 v10, s4;
	vm11 =	veq.f32 v11, s4;
	v10 =	vbroadcast v10, $0x1  }
0xa8: {  	vm12 =	veq.f32 v12, s4;
	v11 =	vbroadcast v11, $0x1;
	v12 =	vbroadcast v12, $0x1  }
0xa9: {  	v17 =	vsel vm0, $0x1, v16;
	v18 =	vsel vm13, $0x1, v16;
	v33 =	vsel vm15, $0x1, v16  }
0xaa: {  	v19 =	vsel vm4, $0x1, v16;
	v20 =	vsel vm5, $0x1, v16;
	v39 =	vsel vm10, $0x1, v16  }
0xab: {  	v40 =	vsel vm11, $0x1, v16;
	v41 =	vsel vm12, $0x1, v16;
	vm15 =	veq.f32 v13, s4  }
0xac: {  	vm4 =	veq.f32 v14, s4;
	vm5 =	veq.f32 v15, s4;
	v13 =	vbroadcast v13, $0x1  }
0xad: {  	v14 =	vbroadcast v14, $0x1;
	v15 =	vbroadcast v15, $0x1;
	vm10 =	veq.f32 v4, s4  }
0xae: {  	vm11 =	veq.f32 v3, s4;
	v4 =	vbroadcast v4, $0x1;
	v3 =	vbroadcast v3, $0x1  }
0xaf: {  	vm12 =	veq.f32 v2, s4;
	v2 =	vbroadcast v2, $0x1;
	v17 =	vbroadcast v17, $0x0  }
0xb0: {  	v32 =	vbroadcast v18, $0x0;
	v18 =	vbroadcast v33, $0x0  }
0xb1: {  	v35 =	vbroadcast v19, $0x0;
	v36 =	vbroadcast v20, $0x0  }
0xb2: {  	v19 =	vbroadcast v40, $0x0;
	v43 =	vbroadcast v41, $0x0;
	v44 =	vsel vm15, $0x1, v16  }
0xb3: {  	v45 =	vsel vm4, $0x1, v16;
	v21 =	vsel vm5, $0x1, v16;
	v49 =	vsel vm10, $0x1, v16  }
0xb4: {  	v51 =	vsel vm12, $0x1, v16;
	vm15 =	veq.f32 v1, s4;
	v1 =	vbroadcast v1, $0x1  }
0xb5: {  	vm4 =	veq.f32 v0, s4;
	v0 =	vbroadcast v0, $0x1;
	v47 =	vbroadcast v45, $0x0  }
0xb6: {  	v50 =	vsel vm11, $0x1, v16;
	v48 =	vbroadcast v21, $0x0;
	v53 =	vbroadcast v51, $0x0  }
0xb7: {  	v55 =	vsel vm15, $0x1, v16;
	v16 =	vsel vm4, $0x1, v16;
	v17 =	vand.u32 $0x1, v17  }
0xb8: {  	v34 =	vand.u32 $0x1, v18;
	v18 =	vand.u32 $0x1, v35;
	v42 =	vand.u32 $0x1, v19  }
0xb9: {  	v19 =	vbroadcast v44, $0x0;
	v56 =	vbroadcast v16, $0x0;
	vm14 =	veq.s32 v17, $0x1  }
0xba: {  	v17 =	vand.u32 $0x1, v32;
	vm7 =	veq.s32 v34, $0x1;
	vm8 =	veq.s32 v18, $0x1  }
0xbb: {  	v18 =	vbroadcast v39, $0x0;
	v54 =	vand.u32 $0x1, v53;
	v5 =	vnsel vm14, $0x7F61B1E6, v5  }
0xbc: {  	vm6 =	veq.s32 v17, $0x1;
	v7 =	vnsel vm7, $0x7F61B1E6, v7;
	v17 =	vand.u32 $0x1, v36  }
0xbd: {  	v8 =	vnsel vm8, $0x7F61B1E6, v8;
	vm14 =	veq.s32 v42, $0x1;
	v46 =	vand.u32 $0x1, v19  }
0xbe: {  	v19 =	vand.u32 $0x1, v47;
	vm5 =	veq.s32 v54, $0x1;
	v58 =	vand.u32 $0x1, v56  }
0xbf: {  	v6 =	vnsel vm6, $0x7F61B1E6, v6;
	v37 =	vmin.f32 v5, $3.000000010e+38;
	vm9 =	veq.s32 v17, $0x1  }
0xc0: {  	v18 =	vand.u32 $0x1, v18;
	v11 =	vnsel vm14, $0x7F61B1E6, v11;
	vm7 =	veq.s32 v46, $0x1  }
0xc1: {  	vm8 =	veq.s32 v19, $0x1;
	v19 =	vbroadcast v50, $0x0;
	v38 =	vmin.f32 v37, v6  }
0xc2: {  	v9 =	vnsel vm9, $0x7F61B1E6, v9;
	vm13 =	veq.s32 v18, $0x1;
	v17 =	vmin.f32 v38, v7  }
0xc3: {  	v18 =	vand.u32 $0x1, v43;
	v13 =	vnsel vm7, $0x7F61B1E6, v13;
	v17 =	vmin.f32 v17, v8  }
0xc4: {  	v10 =	vnsel vm13, $0x7F61B1E6, v10;
	vm6 =	veq.s32 v18, $0x1;
	v17 =	vmin.f32 v17, v9  }
0xc5: {  	v18 =	vand.u32 $0x1, v48;
	v12 =	vnsel vm6, $0x7F61B1E6, v12;
	v17 =	vmin.f32 v17, v10  }
0xc6: {  	vm9 =	veq.s32 v18, $0x1;
	v18 =	vbroadcast v49, $0x0;
	v17 =	vmin.f32 v17, v11  }
0xc7: {  	v14 =	vnsel vm8, $0x7F61B1E6, v14;
	v52 =	vand.u32 $0x1, v19;
	v17 =	vmin.f32 v17, v12  }
0xc8: {  	v15 =	vnsel vm9, $0x7F61B1E6, v15;
	v18 =	vand.u32 $0x1, v18;
	v17 =	vmin.f32 v17, v13  }
0xc9: {  	vm13 =	veq.s32 v18, $0x1;
	v18 =	vbroadcast v55, $0x0;
	v17 =	vmin.f32 v17, v14  }
0xca: {  	vm14 =	veq.s32 v52, $0x1;
	v4 =	vnsel vm13, $0x7F61B1E6, v4;
	v17 =	vmin.f32 v17, v15  }
0xcb: {  	v19 =	vnsel vm14, $0x7F61B1E6, v3;
	v57 =	vand.u32 $0x1, v18;
	v17 =	vmin.f32 v17, v4  }
0xcc: {  	v16 =	vnsel vm5, $0x7F61B1E6, v2;
	vm6 =	veq.s32 v57, $0x1;
	v17 =	vmin.f32 v17, v19  }
0xcd: {  	vm7 =	veq.s32 v58, $0x1;
	v3 =	vnsel vm6, $0x7F61B1E6, v1;
	v17 =	vmin.f32 v17, v16  }
0xce: {  	v1 =	vnsel vm7, $0x7F61B1E6, v0;
	v59 =	vmin.f32 v17, v3  }
0xcf: {  	v2 =	vmin.f32 v59, v1  }
0xd0: {  	v0 =	vimm.f32 $0.0e+00;
	vm8 =	veq.f32 v5, v2  }
0xd1: {  	v5 =	vsel vm8, $0x3F800000, v0  }
0xd2: {  	vm9 =	veq.f32 v6, v2;
	v60 =	vsub.f32 $1.000000000e+00, v5  }
0xd3: {  	v61 =	vsel vm9, $0x3F800000, v0  }
0xd4: {  	v6 =	vmul.f32 v60, v61;
	_ =	sdelay $0x1  }
0xd5: {  	v17 =	vadd.f32 v6, v5;
	_ =	sdelay $0x1  }
0xd6: {  	vm10 =	veq.f32 v7, v2;
	v62 =	vsub.f32 $1.000000000e+00, v17  }
0xd7: {  	v63 =	vsel vm10, $0x3F800000, v0  }
0xd8: {  	v7 =	vmul.f32 v62, v63;
	_ =	sdelay $0x1  }
0xd9: {  	v17 =	vadd.f32 v7, v17;
	_ =	sdelay $0x1  }
0xda: {  	vm11 =	veq.f32 v8, v2;
	v21 =	vsub.f32 $1.000000000e+00, v17  }
0xdb: {  	v22 =	vsel vm11, $0x3F800000, v0  }
0xdc: {  	v8 =	vmul.f32 v21, v22;
	_ =	sdelay $0x1  }
0xdd: {  	v17 =	vadd.f32 v8, v17;
	_ =	sdelay $0x1  }
0xde: {  	vm12 =	veq.f32 v9, v2;
	v23 =	vsub.f32 $1.000000000e+00, v17  }
0xdf: {  	v24 =	vsel vm12, $0x3F800000, v0  }
0xe0: {  	v9 =	vmul.f32 v23, v24;
	_ =	sdelay $0x1  }
0xe1: {  	v17 =	vadd.f32 v9, v17;
	_ =	sdelay $0x1  }
0xe2: {  	vm13 =	veq.f32 v10, v2;
	v25 =	vsub.f32 $1.000000000e+00, v17  }
0xe3: {  	v26 =	vsel vm13, $0x3F800000, v0  }
0xe4: {  	v10 =	vmul.f32 v25, v26;
	_ =	sdelay $0x1  }
0xe5: {  	v17 =	vadd.f32 v10, v17;
	_ =	sdelay $0x1  }
0xe6: {  	vm14 =	veq.f32 v11, v2;
	v27 =	vsub.f32 $1.000000000e+00, v17  }
0xe7: {  	v28 =	vsel vm14, $0x3F800000, v0  }
0xe8: {  	v11 =	vmul.f32 v27, v28;
	_ =	sdelay $0x1  }
0xe9: {  	v17 =	vadd.f32 v11, v17;
	_ =	sdelay $0x1  }
0xea: {  	vm15 =	veq.f32 v12, v2;
	v29 =	vsub.f32 $1.000000000e+00, v17  }
0xeb: {  	v30 =	vsel vm15, $0x3F800000, v0  }
0xec: {  	v12 =	vmul.f32 v29, v30;
	_ =	sdelay $0x1  }
0xed: {  	v17 =	vadd.f32 v12, v17;
	_ =	sdelay $0x1  }
0xee: {  	vm4 =	veq.f32 v13, v2;
	v31 =	vsub.f32 $1.000000000e+00, v17  }
0xef: {  	v32 =	vsel vm4, $0x3F800000, v0  }
0xf0: {  	v13 =	vmul.f32 v31, v32;
	_ =	sdelay $0x1  }
0xf1: {  	v17 =	vadd.f32 v13, v17;
	_ =	sdelay $0x1  }
0xf2: {  	vm5 =	veq.f32 v14, v2;
	v34 =	vsub.f32 $1.000000000e+00, v17  }
0xf3: {  	v36 =	vsel vm5, $0x3F800000, v0  }
0xf4: {  	v14 =	vmul.f32 v34, v36  }
0xf5: {  	v33 =	vld [tilespmem:$0x5D0]  }
0xf6: {  	v35 =	vld [tilespmem:$0x5E0];
	v17 =	vadd.f32 v14, v17;
	_ =	sdelay $0x1  }
0xf7: {  	v37 =	vld [tilespmem:$0x620];
	vm6 =	veq.f32 v15, v2;
	v39 =	vsub.f32 $1.000000000e+00, v17  }
0xf8: {  	v22 =	vld [tilespmem:$0x610];
	v25 =	vsel vm6, $0x3F800000, v0  }
0xf9: {  	v23 =	vld [tilespmem:$0x650];
	v15 =	vmul.f32 v39, v25  }
0xfa: {  	v38 =	vld [tilespmem:$0x660];
	v18 =	vmul.f32 v5, v33;
	v5 =	vmul.f32 v5, v35  }
0xfb: {  	v40 =	vld [tilespmem:$0x6A0];
	v17 =	vadd.f32 v15, v17  }
0xfc: {  	v42 =	vld [tilespmem:$0x6D0];
	vm7 =	veq.f32 v4, v2;
	v5 =	vadd.f32 $0.0e+00, v5  }
0xfd: {  	v22 =	vmul.f32 v6, v22;
	v6 =	vmul.f32 v6, v37;
	v24 =	vld [tilespmem:$0x690];
	v47 =	vsub.f32 $1.000000000e+00, v17  }
0xfe: {  	v43 =	vld [tilespmem:$0x6E0];
	v50 =	vsel vm7, $0x3F800000, v0;
	v18 =	vadd.f32 $0.0e+00, v18;
	v41 =	vmul.f32 v7, v23  }
0xff: {  	v46 =	vld [tilespmem:$0x710];
	v5 =	vadd.f32 v6, v5;
	v7 =	vmul.f32 v7, v38;
	v4 =	vmul.f32 v47, v50  }
0x100: {  	v49 =	vld [tilespmem:$0x720];
	vm8 =	veq.f32 v19, v2;
	v18 =	vadd.f32 v22, v18  }
0x101: {  	v48 =	vmul.f32 v8, v40;
	v5 =	vadd.f32 v7, v5;
	v17 =	vadd.f32 v4, v17  }
0x102: {  	v53 =	vld [tilespmem:$0x760];
	v52 =	vmul.f32 v9, v42;
	v45 =	vmul.f32 v8, v24;
	v44 =	vadd.f32 v41, v18  }
0x103: {  	v51 =	vld [tilespmem:$0x750];
	v9 =	vmul.f32 v9, v43;
	v5 =	vadd.f32 v48, v5;
	v57 =	vsub.f32 $1.000000000e+00, v17  }
0x104: {  	v56 =	vld [tilespmem:$0x7A0];
	v19 =	vsel vm8, $0x3F800000, v0;
	v55 =	vmul.f32 v10, v46;
	v6 =	vadd.f32 v45, v44  }
0x105: {  	v54 =	vld [tilespmem:$0x790];
	v8 =	vmul.f32 v10, v49;
	v5 =	vadd.f32 v9, v5;
	v10 =	vmul.f32 v57, v19  }
0x106: {  	v60 =	vld [tilespmem:$0x7E0];
	v6 =	vadd.f32 v52, v6  }
0x107: {  	v59 =	vld [tilespmem:$0x7D0];
	v5 =	vadd.f32 v8, v5;
	v61 =	vmul.f32 v11, v53;
	v17 =	vadd.f32 v10, v17  }
0x108: {  	vm9 =	veq.f32 v16, v2;
	v24 =	vld [tilespmem:$0x820];
	v6 =	vadd.f32 v55, v6;
	v58 =	vmul.f32 v11, v51  }
0x109: {  	v63 =	vld [tilespmem:$0x810];
	v5 =	vadd.f32 v61, v5;
	v25 =	vmul.f32 v12, v56;
	v28 =	vsub.f32 $1.000000000e+00, v17  }
0x10a: {  	v27 =	vld [tilespmem:$0x860];
	v6 =	vadd.f32 v58, v6;
	v62 =	vmul.f32 v12, v54;
	v31 =	vsel vm9, $0x3F800000, v0  }
0x10b: {  	v30 =	vld [tilespmem:$0x850];
	v29 =	vmul.f32 v13, v60;
	v5 =	vadd.f32 v25, v5;
	v12 =	vmul.f32 v28, v31  }
0x10c: {  	v6 =	vadd.f32 v62, v6;
	v32 =	vld [tilespmem:$0x8A0];
	v26 =	vmul.f32 v13, v59  }
0x10d: {  	v35 =	vld [tilespmem:$0x890];
	v34 =	vmul.f32 v14, v24;
	v5 =	vadd.f32 v29, v5;
	v17 =	vadd.f32 v12, v17  }
0x10e: {  	vm10 =	veq.f32 v3, v2;
	v6 =	vadd.f32 v26, v6;
	v36 =	vld [tilespmem:$0x8E0];
	v33 =	vmul.f32 v14, v63  }
0x10f: {  	v38 =	vld [tilespmem:$0x8D0];
	v37 =	vmul.f32 v15, v27;
	v5 =	vadd.f32 v34, v5;
	v39 =	vsub.f32 $1.000000000e+00, v17  }
0x110: {  	v42 =	vsel vm10, $0x3F800000, v0;
	v41 =	vld [tilespmem:$0x920];
	v6 =	vadd.f32 v33, v6;
	v8 =	vmul.f32 v15, v30  }
0x111: {  	v43 =	vld [tilespmem:$0x910];
	v5 =	vadd.f32 v37, v5;
	v40 =	vmul.f32 v4, v32;
	v3 =	vmul.f32 v39, v42  }
0x112: {  	vm11 =	veq.f32 v1, v2;
	v45 =	vld [tilespmem:$0x960];
	v6 =	vadd.f32 v8, v6;
	v4 =	vmul.f32 v4, v35  }
0x113: {  	v48 =	vld [tilespmem:$0x950];
	v5 =	vadd.f32 v40, v5;
	v44 =	vmul.f32 v10, v36;
	v47 =	vadd.f32 v3, v17  }
0x114: {  	v46 =	vmov s4;
	v50 =	vld [tilespmem:$0x9A0];
	v4 =	vadd.f32 v4, v6;
	v49 =	vmul.f32 v10, v38  }
0x115: {  	v5 =	vadd.f32 v44, v5;
	v9 =	vmul.f32 v12, v41;
	v51 =	vsub.f32 $1.000000000e+00, v47  }
0x116: {  	v54 =	vld [tilespmem:$0x990];
	v0 =	vsel vm11, $0x3F800000, v0;
	v52 =	vadd.f32 v49, v4;
	v53 =	vmul.f32 v12, v43  }
0x117: {  	v5 =	vadd.f32 v9, v5;
	v55 =	vmul.f32 v3, v45;
	v0 =	vmul.f32 v51, v0  }
0x118: {  	v57 =	vsub.f32 $0.0e+00, v46;
	v56 =	vadd.f32 v53, v52  }
0x119: {  	v3 =	vmul.f32 v3, v48;
	v58 =	vadd.f32 v55, v5;
	v59 =	vmul.f32 v0, v50  }
0x11a: {  	v2 =	vmul.f32 $1.442695020e+00, v57  }
0x11b: {  	v1 =	vadd.f32 v3, v56;
	v0 =	vmul.f32 v0, v54;
	v60 =	vadd.f32 v59, v58  }
0x11c: {  	v2 =	vbroadcast v2, $0x0  }
0x11d: {  	v0 =	vadd.f32 v0, v1;
	(v2sf) =	vpush v60, $0x0  }
0x11e: {  	(erf) = vpow2.f32 v2;
	(v2sf) =	vpush v60, $0x1  }
0x11f: {  	(v2sf) =	vpush v0, $0x4  }
0x120: {  	(v2sf) =	vpush v0, $0x5  }
0x121: {  	(v2sf) =	vpush v0, $0x6;
	_ =	sdelay $0x1  }
0x122: {  	(v2sf) =	vpush v0, $0x7;
	_ =	sdelay $0x3  }
0x123: {  	v61 =	vpop (erf)  }
0x124: {  	v0 =	vadd.f32 $1.000000000e+00, v61;
	_ =	sdelay $0x1  }
0x125: {  	(erf) = vrcp.f32 v0;
	_ =	sdelay $0x1  }
0x126: {  	s28 =	spop (v2sf)  }
0x127: {  	s29 =	spop (v2sf)  }
0x128: {  	s30 =	spop (v2sf)  }
0x129: {  	s7 =	spop (v2sf);
	s6 =	smul.f32 $4.464285910e-03, s30  }
0x12a: {  	s8 =	spop (v2sf)  }
0x12b: {  	s7 =	smul.f32 $4.464285910e-03, s7;
	s6 =	sadd.f32 s6, s28  }
0x12c: {  	v62 =	vlaneseq.u32;
	s8 =	smul.f32 $4.464285910e-03, s8;
	s9 =	spop (v2sf)  }
0x12d: {  	vm12 =	veq.s32 v62, $0x1;
	v63 =	vpop (erf);
	s7 =	sadd.f32 s7, s29;
	s9 =	smul.f32 $4.464285910e-03, s9  }
0x12e: {  	vm13 =	veq.s32 v62, $0x2;
	s4 =	sadd.f32 s8, s28;
	v1 =	vsel vm12, s6, v63  }
0x12f: {  	vm14 =	veq.s32 v62, $0x3;
	s5 =	sadd.f32 s9, s29;
	v1 =	vsel vm13, s7, v1  }
0x130: {  	vm15 =	veq.s32 v62, $0x4;
	v1 =	vsel vm14, s4, v1  }
0x131: {  	v0 =	vsel vm15, s5, v1  }
0x132: {  	s31 =	simm.s32 $0x11C0;
	[tilespmem:$0x11C0] =	vst v0  }
0x133: {  	[hbm4b:s1+s2] =	stream.linear.scatter [tilespmem:s31], [sflag:$0x1], $0x80, $0x38;
	[tilespmem:$0x1240] =	vst v63  }
0x134: {  	_ =	swait.ge [sflag:s3], $0x80  }
0x135: {  	[sflag:s3] =	ssyncset.done $0x0  }
0x136: {  	[sflag:s3] =	ssyncadd.s32 $0xFFFFFF80  }
0x137: {  	_ =	sfence.sel $0x180000  }
0x138: {  	[bflag:$0x0] =	sbarrier.arrive $0xFFFF  }
0x139: {  	_ =	strace $0x90000047  }
0x13a: {  	s0 =	sadd.s32 $0x100000, s0;
	[bflag:$0x2] =	sbarrier.arrive $0xFFFF  }
0x13b: {  	[sflag:s0] =	ssyncadd.tile.s32 $0x1;
	_ =	shalt  }
.Lfunc_end2:
_tile_overlayer_lowered:
.L_overlay_start_2:
0x13c: {  	(tag) =	ssettag $0x2  }
0x13d: {  	s0 =	rddreg [dreg:$0x0];
	s2 =	stileid.u32  }
0x13e: {  	s1 =	rddreg [dreg:$0x1];
	p0 =	sne.s32 s2, $0x0  }
0x13f: {  	s3 =	rddreg [dreg:$0x2];
	[bflag:$0x3] =	sbarrier.arrive $0xFFFF;
	s2 =	simm.s32 @!p0 $0x1C01  }
0x140: {  	[timem:s3], [sflag:s2] =	dma.local @!p0 [hbm:s0], s1  }
0x141: {  	s0 =	simm.s32 @!p0 $0x1  }
0x142: {  	_ =	swait.ge @!p0 [sflag:s0], s1  }
0x143: {  	s1 =	ssub.s32 @!p0 $0x0, s1;
	[sflag:s0] =	ssyncset.done @!p0 $0x0  }
0x144: {  	[sflag:s0] =	ssyncadd.s32 @!p0 s1  }
0x145: {  	[bflag:$0x3] =	sbarrier.arrive $0xFFFF  }
0x146: {  	_ =	shalt  }

</sc_bundles>
